<compile_context>
chip_gen: v7x
topology: tpu7x:2x2x1
jax: 0.10.2.dev20260603
libtpu: 0.0.44.dev20260713+nightly
codegen_flags: <defaults>
</compile_context>

<pallas_src>
import functools

import jax
import jax.numpy as jnp
from jax import lax
from jax.experimental import pallas as pl
from jax.experimental.pallas import tpu as pltpu
from jax.experimental.pallas import tpu_sc as plsc

_HIDDEN = 768
_BATCH, _N_NEWS, _SIG_LEN = 16, 32, 64
_B = _BATCH * _N_NEWS * _SIG_LEN
_NC, _NS = 2, 16
_NW = _NC * _NS
_BPW = _B // _NW
_CHUNK = 32
_NCHUNK = _BPW // _CHUNK
_NBUF = 4
_NGRP = _NCHUNK // _NBUF

_mesh = plsc.VectorSubcoreMesh(core_axis_name="c", subcore_axis_name="s")


@functools.partial(
    pl.kernel,
    out_type=jax.ShapeDtypeStruct((_B, _HIDDEN), jnp.float32),
    mesh=_mesh,
    scratch_types=[
        pltpu.VMEM((_NCHUNK, _CHUNK), jnp.int32),
        pltpu.VMEM((_NBUF, _CHUNK, _HIDDEN), jnp.float32),
        [pltpu.SemaphoreType.DMA] * _NBUF,
        [pltpu.SemaphoreType.DMA] * _NBUF,
    ],
)
def _emb_lookup(idx_hbm, table_hbm, out_hbm, idx_v, rows_v, gsems, ssems):
    wid = lax.axis_index("s") * _NC + lax.axis_index("c")
    base = wid * _BPW

    def gather(b, c):
        pltpu.make_async_copy(
            table_hbm.at[idx_v.at[c]], rows_v.at[b], gsems[b]
        ).start()

    def gather_wait(b):
        pltpu.make_async_copy(
            table_hbm.at[idx_v.at[0]], rows_v.at[b], gsems[b]
        ).wait()

    def scatter(b, c):
        pltpu.make_async_copy(
            rows_v.at[b], out_hbm.at[pl.ds(base + c * _CHUNK, _CHUNK)], ssems[b]
        ).start()

    def scatter_wait(b):
        pltpu.make_async_copy(
            rows_v.at[b], out_hbm.at[pl.ds(base, _CHUNK)], ssems[b]
        ).wait()

    pltpu.sync_copy(idx_hbm.at[wid], idx_v)
    for b in range(_NBUF):
        gather(b, b)

    def body(g, _):
        for b in range(_NBUF):
            c = g * _NBUF + b
            gather_wait(b)
            scatter(b, c)
            scatter_wait(b)
            gather(b, c + _NBUF)
        return ()

    lax.fori_loop(0, _NGRP - 1, body, (), unroll=False)

    for b in range(_NBUF):
        c = (_NGRP - 1) * _NBUF + b
        gather_wait(b)
        scatter(b, c)
    for b in range(_NBUF):
        scatter_wait(b)


def kernel(news_batch, word_embedding):
    idx = news_batch.reshape(_NW, _NCHUNK, _CHUNK)
    out = _emb_lookup(idx, word_embedding)
    return out.reshape(_BATCH, _N_NEWS, _SIG_LEN, _HIDDEN)

# --- scband reference (transcript-rebuilt; emitter-appended) ---
"""Pipeline reference for scband-bert-embedding-76218489635378 (READ-ONLY COPY).

The authoritative reference and input builder live on the scoring server;
editing this copy changes nothing except your own understanding.
"""

import jax, jax.numpy as jnp
import numpy as np

VOCAB = 30522
HIDDEN = 768
BATCH, N_NEWS, SIG_LEN = 16, 32, 64


def setup_inputs(seed: int = 0) -> dict:
    key = jax.random.key(seed)
    k_idx, k_emb = jax.random.split(key)
    news_batch = jax.random.randint(k_idx, (BATCH, N_NEWS, SIG_LEN), 0, VOCAB, dtype=jnp.int32)
    # learned parameter: BERT word embedding table (bert.embeddings.word_embeddings.weight)
    word_embedding = jax.random.normal(k_emb, (VOCAB, HIDDEN), dtype=jnp.float32) * 0.02
    return {"news_batch": news_batch, "word_embedding": word_embedding}


def reference(news_batch, word_embedding):
    # news_batch.dim() == 3 path: word_embeds = self.bert_word_embedding(news_batch)
    # subword_prefix is None, reducer != 'bow' -> plain embedding lookup
    word_embeds = jnp.take(word_embedding, news_batch, axis=0)
    return word_embeds

if __name__ == "__main__":
    import jax
    _d = setup_inputs()
    print(jax.jit(kernel)(*tuple(_d.values())))

</pallas_src>

<mosaic_0001>
#map = affine_map<(d0, d1) -> (0, 0, 0)>
#map1 = affine_map<(d0, d1) -> (0, 0)>
module attributes {stable_mosaic.version = 14 : i64} {
  func.func @_emb_lookup(%arg0: i32, %arg1: i32, %arg2: memref<32x32x32xi32, #tpu.memory_space<hbm>>, %arg3: memref<30522x768xf32, #tpu.memory_space<hbm>>, %arg4: memref<32768x768xf32, #tpu.memory_space<hbm>>, %arg5: memref<32x32xi32, #tpu.memory_space<vmem>>, %arg6: memref<4x32x768xf32, #tpu.memory_space<vmem>>, %arg7: memref<!tpu.dma_semaphore, #tpu.memory_space<semaphore_mem>>, %arg8: memref<!tpu.dma_semaphore, #tpu.memory_space<semaphore_mem>>, %arg9: memref<!tpu.dma_semaphore, #tpu.memory_space<semaphore_mem>>, %arg10: memref<!tpu.dma_semaphore, #tpu.memory_space<semaphore_mem>>, %arg11: memref<!tpu.dma_semaphore, #tpu.memory_space<semaphore_mem>>, %arg12: memref<!tpu.dma_semaphore, #tpu.memory_space<semaphore_mem>>, %arg13: memref<!tpu.dma_semaphore, #tpu.memory_space<semaphore_mem>>, %arg14: memref<!tpu.dma_semaphore, #tpu.memory_space<semaphore_mem>>) attributes {dimension_semantics = [#tpu.dimension_semantics<core_parallel>, #tpu.dimension_semantics<subcore_parallel>], iteration_bounds = array<i64: 2, 16>, scalar_prefetch = 0 : i64, scratch_operands = 10 : i64, tpu.core_type = #tpu.core_type<sc_vector_subcore>, window_params = [{transform_indices = #map}, {transform_indices = #map1}, {transform_indices = #map1}]} {
    %mul3A = arith.constant 2 : i32
    %mul3A_0 = arith.muli %arg1, %mul3A : i32
    %add3A = arith.addi %mul3A_0, %arg0 : i32
    %mul3A_1 = arith.constant 1024 : i32
    %mul3A_2 = arith.muli %add3A, %mul3A_1 : i32
    "tpu.region"() ({
      %run_scoped3A = tpu.sem_alloc : memref<!tpu.dma_semaphore, #tpu.memory_space<semaphore_mem>>
      %dma_start3A_213 = arith.constant 0 : i32
      %dma_start3A_214 = arith.constant 0 : i32
      %dma_start3A_215 = tpu.memref_slice %arg2[%add3A, %dma_start3A_213, %dma_start3A_214] : memref<32x32x32xi32, #tpu.memory_space<hbm>> -> memref<1x32x32xi32, #tpu.memory_space<hbm>>
      %dma_start3A_216 = tpu.memref_squeeze %dma_start3A_215 : memref<1x32x32xi32, #tpu.memory_space<hbm>> -> memref<32x32xi32, #tpu.memory_space<hbm>>
      %dma_start3A_217 = arith.constant 0 : i32
      %dma_start3A_218 = arith.constant 0 : i32
      %dma_start3A_219 = tpu.memref_slice %arg2[%add3A, %dma_start3A_217, %dma_start3A_218] : memref<32x32x32xi32, #tpu.memory_space<hbm>> -> memref<1x32x32xi32, #tpu.memory_space<hbm>>
      %dma_start3A_220 = tpu.memref_squeeze %dma_start3A_219 : memref<1x32x32xi32, #tpu.memory_space<hbm>> -> memref<32x32xi32, #tpu.memory_space<hbm>>
      tpu.enqueue_dma source(%dma_start3A_220 : memref<32x32xi32, #tpu.memory_space<hbm>>) target(%arg5 : memref<32x32xi32, #tpu.memory_space<vmem>>) target_semaphore(%run_scoped3A : memref<!tpu.dma_semaphore, #tpu.memory_space<semaphore_mem>>)
      %dma_wait3A_221 = arith.constant 0 : i32
      %dma_wait3A_222 = arith.constant 0 : i32
      %dma_wait3A_223 = tpu.memref_slice %arg2[%add3A, %dma_wait3A_221, %dma_wait3A_222] : memref<32x32x32xi32, #tpu.memory_space<hbm>> -> memref<1x32x32xi32, #tpu.memory_space<hbm>>
      %dma_wait3A_224 = tpu.memref_squeeze %dma_wait3A_223 : memref<1x32x32xi32, #tpu.memory_space<hbm>> -> memref<32x32xi32, #tpu.memory_space<hbm>>
      %dma_wait3A_225 = arith.constant 0 : i32
      %dma_wait3A_226 = arith.constant 0 : i32
      %dma_wait3A_227 = tpu.memref_slice %arg2[%add3A, %dma_wait3A_225, %dma_wait3A_226] : memref<32x32x32xi32, #tpu.memory_space<hbm>> -> memref<1x32x32xi32, #tpu.memory_space<hbm>>
      %dma_wait3A_228 = tpu.memref_squeeze %dma_wait3A_227 : memref<1x32x32xi32, #tpu.memory_space<hbm>> -> memref<32x32xi32, #tpu.memory_space<hbm>>
      tpu.wait_dma2 semaphore(%run_scoped3A : memref<!tpu.dma_semaphore, #tpu.memory_space<semaphore_mem>>) src(%dma_wait3A_228 : memref<32x32xi32, #tpu.memory_space<hbm>>) dst(%arg5 : memref<32x32xi32, #tpu.memory_space<vmem>>)
      tpu.yield
    }) : () -> ()
    %dma_start3A = arith.constant 0 : i32
    %dma_start3A_3 = arith.constant 0 : i32
    %dma_start3A_4 = arith.constant 0 : i32
    %dma_start3A_5 = arith.constant 0 : i32
    %dma_start3A_6 = tpu.memref_slice %arg6[%dma_start3A_3, %dma_start3A_4, %dma_start3A_5] : memref<4x32x768xf32, #tpu.memory_space<vmem>> -> memref<1x32x768xf32, #tpu.memory_space<vmem>>
    %dma_start3A_7 = tpu.memref_squeeze %dma_start3A_6 : memref<1x32x768xf32, #tpu.memory_space<vmem>> -> memref<32x768xf32, #tpu.memory_space<vmem>>
    %dma_start3A_8 = arith.constant 0 : i32
    %dma_start3A_9 = tpu.memref_slice %arg5[%dma_start3A, %dma_start3A_8] : memref<32x32xi32, #tpu.memory_space<vmem>> -> memref<1x32xi32, #tpu.memory_space<vmem>>
    %dma_start3A_10 = tpu.memref_squeeze %dma_start3A_9 : memref<1x32xi32, #tpu.memory_space<vmem>> -> memref<32xi32, #tpu.memory_space<vmem>>
    %dma_start3A_11 = arith.constant 0 : i32
    %dma_start3A_12 = arith.constant 0 : i32
    %dma_start3A_13 = tpu.memref_slice %arg3[%dma_start3A_11, %dma_start3A_12] : memref<30522x768xf32, #tpu.memory_space<hbm>> -> memref<30522x768xf32, #tpu.memory_space<hbm>>
    tpu.enqueue_indirect_dma source(%dma_start3A_13 : memref<30522x768xf32, #tpu.memory_space<hbm>>) target(%dma_start3A_7 : memref<32x768xf32, #tpu.memory_space<vmem>>) offsets(%dma_start3A_10 : memref<32xi32, #tpu.memory_space<vmem>>) semaphore(%arg7 : memref<!tpu.dma_semaphore, #tpu.memory_space<semaphore_mem>>)
    %dma_start3A_14 = arith.constant 1 : i32
    %dma_start3A_15 = arith.constant 1 : i32
    %dma_start3A_16 = arith.constant 0 : i32
    %dma_start3A_17 = arith.constant 0 : i32
    %dma_start3A_18 = tpu.memref_slice %arg6[%dma_start3A_15, %dma_start3A_16, %dma_start3A_17] : memref<4x32x768xf32, #tpu.memory_space<vmem>> -> memref<1x32x768xf32, #tpu.memory_space<vmem>>
    %dma_start3A_19 = tpu.memref_squeeze %dma_start3A_18 : memref<1x32x768xf32, #tpu.memory_space<vmem>> -> memref<32x768xf32, #tpu.memory_space<vmem>>
    %dma_start3A_20 = arith.constant 0 : i32
    %dma_start3A_21 = tpu.memref_slice %arg5[%dma_start3A_14, %dma_start3A_20] : memref<32x32xi32, #tpu.memory_space<vmem>> -> memref<1x32xi32, #tpu.memory_space<vmem>>
    %dma_start3A_22 = tpu.memref_squeeze %dma_start3A_21 : memref<1x32xi32, #tpu.memory_space<vmem>> -> memref<32xi32, #tpu.memory_space<vmem>>
    %dma_start3A_23 = arith.constant 0 : i32
    %dma_start3A_24 = arith.constant 0 : i32
    %dma_start3A_25 = tpu.memref_slice %arg3[%dma_start3A_23, %dma_start3A_24] : memref<30522x768xf32, #tpu.memory_space<hbm>> -> memref<30522x768xf32, #tpu.memory_space<hbm>>
    tpu.enqueue_indirect_dma source(%dma_start3A_25 : memref<30522x768xf32, #tpu.memory_space<hbm>>) target(%dma_start3A_19 : memref<32x768xf32, #tpu.memory_space<vmem>>) offsets(%dma_start3A_22 : memref<32xi32, #tpu.memory_space<vmem>>) semaphore(%arg8 : memref<!tpu.dma_semaphore, #tpu.memory_space<semaphore_mem>>)
    %dma_start3A_26 = arith.constant 2 : i32
    %dma_start3A_27 = arith.constant 2 : i32
    %dma_start3A_28 = arith.constant 0 : i32
    %dma_start3A_29 = arith.constant 0 : i32
    %dma_start3A_30 = tpu.memref_slice %arg6[%dma_start3A_27, %dma_start3A_28, %dma_start3A_29] : memref<4x32x768xf32, #tpu.memory_space<vmem>> -> memref<1x32x768xf32, #tpu.memory_space<vmem>>
    %dma_start3A_31 = tpu.memref_squeeze %dma_start3A_30 : memref<1x32x768xf32, #tpu.memory_space<vmem>> -> memref<32x768xf32, #tpu.memory_space<vmem>>
    %dma_start3A_32 = arith.constant 0 : i32
    %dma_start3A_33 = tpu.memref_slice %arg5[%dma_start3A_26, %dma_start3A_32] : memref<32x32xi32, #tpu.memory_space<vmem>> -> memref<1x32xi32, #tpu.memory_space<vmem>>
    %dma_start3A_34 = tpu.memref_squeeze %dma_start3A_33 : memref<1x32xi32, #tpu.memory_space<vmem>> -> memref<32xi32, #tpu.memory_space<vmem>>
    %dma_start3A_35 = arith.constant 0 : i32
    %dma_start3A_36 = arith.constant 0 : i32
    %dma_start3A_37 = tpu.memref_slice %arg3[%dma_start3A_35, %dma_start3A_36] : memref<30522x768xf32, #tpu.memory_space<hbm>> -> memref<30522x768xf32, #tpu.memory_space<hbm>>
    tpu.enqueue_indirect_dma source(%dma_start3A_37 : memref<30522x768xf32, #tpu.memory_space<hbm>>) target(%dma_start3A_31 : memref<32x768xf32, #tpu.memory_space<vmem>>) offsets(%dma_start3A_34 : memref<32xi32, #tpu.memory_space<vmem>>) semaphore(%arg9 : memref<!tpu.dma_semaphore, #tpu.memory_space<semaphore_mem>>)
    %dma_start3A_38 = arith.constant 3 : i32
    %dma_start3A_39 = arith.constant 3 : i32
    %dma_start3A_40 = arith.constant 0 : i32
    %dma_start3A_41 = arith.constant 0 : i32
    %dma_start3A_42 = tpu.memref_slice %arg6[%dma_start3A_39, %dma_start3A_40, %dma_start3A_41] : memref<4x32x768xf32, #tpu.memory_space<vmem>> -> memref<1x32x768xf32, #tpu.memory_space<vmem>>
    %dma_start3A_43 = tpu.memref_squeeze %dma_start3A_42 : memref<1x32x768xf32, #tpu.memory_space<vmem>> -> memref<32x768xf32, #tpu.memory_space<vmem>>
    %dma_start3A_44 = arith.constant 0 : i32
    %dma_start3A_45 = tpu.memref_slice %arg5[%dma_start3A_38, %dma_start3A_44] : memref<32x32xi32, #tpu.memory_space<vmem>> -> memref<1x32xi32, #tpu.memory_space<vmem>>
    %dma_start3A_46 = tpu.memref_squeeze %dma_start3A_45 : memref<1x32xi32, #tpu.memory_space<vmem>> -> memref<32xi32, #tpu.memory_space<vmem>>
    %dma_start3A_47 = arith.constant 0 : i32
    %dma_start3A_48 = arith.constant 0 : i32
    %dma_start3A_49 = tpu.memref_slice %arg3[%dma_start3A_47, %dma_start3A_48] : memref<30522x768xf32, #tpu.memory_space<hbm>> -> memref<30522x768xf32, #tpu.memory_space<hbm>>
    tpu.enqueue_indirect_dma source(%dma_start3A_49 : memref<30522x768xf32, #tpu.memory_space<hbm>>) target(%dma_start3A_43 : memref<32x768xf32, #tpu.memory_space<vmem>>) offsets(%dma_start3A_46 : memref<32xi32, #tpu.memory_space<vmem>>) semaphore(%arg10 : memref<!tpu.dma_semaphore, #tpu.memory_space<semaphore_mem>>)
    %scan3A = arith.constant 0 : i32
    %scan3A_50 = arith.constant 7 : i32
    %scan3A_51 = arith.addi %scan3A, %scan3A_50 : i32
    %scan3A_52 = arith.constant 1 : i32
    scf.for %scan3A_213 = %scan3A to %scan3A_51 step %scan3A_52  : i32 {
      %mul3A_214 = arith.constant 4 : i32
      %mul3A_215 = arith.muli %scan3A_213, %mul3A_214 : i32
      %add3A_216 = arith.constant 0 : i32
      %add3A_217 = arith.addi %mul3A_215, %add3A_216 : i32
      %dma_wait3A_218 = arith.constant 0 : i32
      %dma_wait3A_219 = arith.constant 0 : i32
      %dma_wait3A_220 = arith.constant 0 : i32
      %dma_wait3A_221 = arith.constant 0 : i32
      %dma_wait3A_222 = tpu.memref_slice %arg6[%dma_wait3A_219, %dma_wait3A_220, %dma_wait3A_221] : memref<4x32x768xf32, #tpu.memory_space<vmem>> -> memref<1x32x768xf32, #tpu.memory_space<vmem>>
      %dma_wait3A_223 = tpu.memref_squeeze %dma_wait3A_222 : memref<1x32x768xf32, #tpu.memory_space<vmem>> -> memref<32x768xf32, #tpu.memory_space<vmem>>
      %dma_wait3A_224 = arith.constant 0 : i32
      %dma_wait3A_225 = tpu.memref_slice %arg5[%dma_wait3A_218, %dma_wait3A_224] : memref<32x32xi32, #tpu.memory_space<vmem>> -> memref<1x32xi32, #tpu.memory_space<vmem>>
      %dma_wait3A_226 = tpu.memref_squeeze %dma_wait3A_225 : memref<1x32xi32, #tpu.memory_space<vmem>> -> memref<32xi32, #tpu.memory_space<vmem>>
      %dma_wait3A_227 = arith.constant 0 : i32
      %dma_wait3A_228 = arith.constant 0 : i32
      %dma_wait3A_229 = tpu.memref_slice %arg3[%dma_wait3A_227, %dma_wait3A_228] : memref<30522x768xf32, #tpu.memory_space<hbm>> -> memref<30522x768xf32, #tpu.memory_space<hbm>>
      tpu.wait_indirect_dma semaphore(%arg7 : memref<!tpu.dma_semaphore, #tpu.memory_space<semaphore_mem>>) src(%dma_wait3A_229 : memref<30522x768xf32, #tpu.memory_space<hbm>>) dst(%dma_wait3A_223 : memref<32x768xf32, #tpu.memory_space<vmem>>)
      %mul3A_230 = arith.constant 32 : i32
      %mul3A_231 = arith.muli %add3A_217, %mul3A_230 : i32
      %add3A_232 = arith.addi %mul3A_2, %mul3A_231 : i32
      %dma_start3A_233 = arith.constant 0 : i32
      %dma_start3A_234 = arith.constant 0 : i32
      %dma_start3A_235 = arith.constant 0 : i32
      %dma_start3A_236 = tpu.memref_slice %arg6[%dma_start3A_233, %dma_start3A_234, %dma_start3A_235] : memref<4x32x768xf32, #tpu.memory_space<vmem>> -> memref<1x32x768xf32, #tpu.memory_space<vmem>>
      %dma_start3A_237 = tpu.memref_squeeze %dma_start3A_236 : memref<1x32x768xf32, #tpu.memory_space<vmem>> -> memref<32x768xf32, #tpu.memory_space<vmem>>
      %dma_start3A_238 = arith.constant 0 : i32
      %dma_start3A_239 = tpu.memref_slice %arg4[%add3A_232, %dma_start3A_238] : memref<32768x768xf32, #tpu.memory_space<hbm>> -> memref<32x768xf32, #tpu.memory_space<hbm>>
      %dma_start3A_240 = arith.constant 0 : i32
      %dma_start3A_241 = tpu.memref_slice %arg4[%add3A_232, %dma_start3A_240] : memref<32768x768xf32, #tpu.memory_space<hbm>> -> memref<32x768xf32, #tpu.memory_space<hbm>>
      %dma_start3A_242 = arith.constant 0 : i32
      %dma_start3A_243 = arith.constant 0 : i32
      %dma_start3A_244 = tpu.memref_slice %arg6[%dma_start3A_233, %dma_start3A_242, %dma_start3A_243] : memref<4x32x768xf32, #tpu.memory_space<vmem>> -> memref<1x32x768xf32, #tpu.memory_space<vmem>>
      %dma_start3A_245 = tpu.memref_squeeze %dma_start3A_244 : memref<1x32x768xf32, #tpu.memory_space<vmem>> -> memref<32x768xf32, #tpu.memory_space<vmem>>
      tpu.enqueue_dma source(%dma_start3A_245 : memref<32x768xf32, #tpu.memory_space<vmem>>) target(%dma_start3A_241 : memref<32x768xf32, #tpu.memory_space<hbm>>) target_semaphore(%arg11 : memref<!tpu.dma_semaphore, #tpu.memory_space<semaphore_mem>>)
      %dma_wait3A_246 = arith.constant 0 : i32
      %dma_wait3A_247 = arith.constant 0 : i32
      %dma_wait3A_248 = arith.constant 0 : i32
      %dma_wait3A_249 = tpu.memref_slice %arg6[%dma_wait3A_246, %dma_wait3A_247, %dma_wait3A_248] : memref<4x32x768xf32, #tpu.memory_space<vmem>> -> memref<1x32x768xf32, #tpu.memory_space<vmem>>
      %dma_wait3A_250 = tpu.memref_squeeze %dma_wait3A_249 : memref<1x32x768xf32, #tpu.memory_space<vmem>> -> memref<32x768xf32, #tpu.memory_space<vmem>>
      %dma_wait3A_251 = arith.constant 0 : i32
      %dma_wait3A_252 = tpu.memref_slice %arg4[%mul3A_2, %dma_wait3A_251] : memref<32768x768xf32, #tpu.memory_space<hbm>> -> memref<32x768xf32, #tpu.memory_space<hbm>>
      %dma_wait3A_253 = arith.constant 0 : i32
      %dma_wait3A_254 = tpu.memref_slice %arg4[%mul3A_2, %dma_wait3A_253] : memref<32768x768xf32, #tpu.memory_space<hbm>> -> memref<32x768xf32, #tpu.memory_space<hbm>>
      %dma_wait3A_255 = arith.constant 0 : i32
      %dma_wait3A_256 = arith.constant 0 : i32
      %dma_wait3A_257 = tpu.memref_slice %arg6[%dma_wait3A_246, %dma_wait3A_255, %dma_wait3A_256] : memref<4x32x768xf32, #tpu.memory_space<vmem>> -> memref<1x32x768xf32, #tpu.memory_space<vmem>>
      %dma_wait3A_258 = tpu.memref_squeeze %dma_wait3A_257 : memref<1x32x768xf32, #tpu.memory_space<vmem>> -> memref<32x768xf32, #tpu.memory_space<vmem>>
      tpu.wait_dma2 semaphore(%arg11 : memref<!tpu.dma_semaphore, #tpu.memory_space<semaphore_mem>>) src(%dma_wait3A_258 : memref<32x768xf32, #tpu.memory_space<vmem>>) dst(%dma_wait3A_254 : memref<32x768xf32, #tpu.memory_space<hbm>>)
      %add3A_259 = arith.constant 4 : i32
      %add3A_260 = arith.addi %add3A_217, %add3A_259 : i32
      %dma_start3A_261 = arith.constant 0 : i32
      %dma_start3A_262 = arith.constant 0 : i32
      %dma_start3A_263 = arith.constant 0 : i32
      %dma_start3A_264 = tpu.memref_slice %arg6[%dma_start3A_261, %dma_start3A_262, %dma_start3A_263] : memref<4x32x768xf32, #tpu.memory_space<vmem>> -> memref<1x32x768xf32, #tpu.memory_space<vmem>>
      %dma_start3A_265 = tpu.memref_squeeze %dma_start3A_264 : memref<1x32x768xf32, #tpu.memory_space<vmem>> -> memref<32x768xf32, #tpu.memory_space<vmem>>
      %dma_start3A_266 = arith.constant 0 : i32
      %dma_start3A_267 = tpu.memref_slice %arg5[%add3A_260, %dma_start3A_266] : memref<32x32xi32, #tpu.memory_space<vmem>> -> memref<1x32xi32, #tpu.memory_space<vmem>>
      %dma_start3A_268 = tpu.memref_squeeze %dma_start3A_267 : memref<1x32xi32, #tpu.memory_space<vmem>> -> memref<32xi32, #tpu.memory_space<vmem>>
      %dma_start3A_269 = arith.constant 0 : i32
      %dma_start3A_270 = arith.constant 0 : i32
      %dma_start3A_271 = tpu.memref_slice %arg3[%dma_start3A_269, %dma_start3A_270] : memref<30522x768xf32, #tpu.memory_space<hbm>> -> memref<30522x768xf32, #tpu.memory_space<hbm>>
      tpu.enqueue_indirect_dma source(%dma_start3A_271 : memref<30522x768xf32, #tpu.memory_space<hbm>>) target(%dma_start3A_265 : memref<32x768xf32, #tpu.memory_space<vmem>>) offsets(%dma_start3A_268 : memref<32xi32, #tpu.memory_space<vmem>>) semaphore(%arg7 : memref<!tpu.dma_semaphore, #tpu.memory_space<semaphore_mem>>)
      %mul3A_272 = arith.constant 4 : i32
      %mul3A_273 = arith.muli %scan3A_213, %mul3A_272 : i32
      %add3A_274 = arith.constant 1 : i32
      %add3A_275 = arith.addi %mul3A_273, %add3A_274 : i32
      %dma_wait3A_276 = arith.constant 0 : i32
      %dma_wait3A_277 = arith.constant 1 : i32
      %dma_wait3A_278 = arith.constant 0 : i32
      %dma_wait3A_279 = arith.constant 0 : i32
      %dma_wait3A_280 = tpu.memref_slice %arg6[%dma_wait3A_277, %dma_wait3A_278, %dma_wait3A_279] : memref<4x32x768xf32, #tpu.memory_space<vmem>> -> memref<1x32x768xf32, #tpu.memory_space<vmem>>
      %dma_wait3A_281 = tpu.memref_squeeze %dma_wait3A_280 : memref<1x32x768xf32, #tpu.memory_space<vmem>> -> memref<32x768xf32, #tpu.memory_space<vmem>>
      %dma_wait3A_282 = arith.constant 0 : i32
      %dma_wait3A_283 = tpu.memref_slice %arg5[%dma_wait3A_276, %dma_wait3A_282] : memref<32x32xi32, #tpu.memory_space<vmem>> -> memref<1x32xi32, #tpu.memory_space<vmem>>
      %dma_wait3A_284 = tpu.memref_squeeze %dma_wait3A_283 : memref<1x32xi32, #tpu.memory_space<vmem>> -> memref<32xi32, #tpu.memory_space<vmem>>
      %dma_wait3A_285 = arith.constant 0 : i32
      %dma_wait3A_286 = arith.constant 0 : i32
      %dma_wait3A_287 = tpu.memref_slice %arg3[%dma_wait3A_285, %dma_wait3A_286] : memref<30522x768xf32, #tpu.memory_space<hbm>> -> memref<30522x768xf32, #tpu.memory_space<hbm>>
      tpu.wait_indirect_dma semaphore(%arg8 : memref<!tpu.dma_semaphore, #tpu.memory_space<semaphore_mem>>) src(%dma_wait3A_287 : memref<30522x768xf32, #tpu.memory_space<hbm>>) dst(%dma_wait3A_281 : memref<32x768xf32, #tpu.memory_space<vmem>>)
      %mul3A_288 = arith.constant 32 : i32
      %mul3A_289 = arith.muli %add3A_275, %mul3A_288 : i32
      %add3A_290 = arith.addi %mul3A_2, %mul3A_289 : i32
      %dma_start3A_291 = arith.constant 1 : i32
      %dma_start3A_292 = arith.constant 0 : i32
      %dma_start3A_293 = arith.constant 0 : i32
      %dma_start3A_294 = tpu.memref_slice %arg6[%dma_start3A_291, %dma_start3A_292, %dma_start3A_293] : memref<4x32x768xf32, #tpu.memory_space<vmem>> -> memref<1x32x768xf32, #tpu.memory_space<vmem>>
      %dma_start3A_295 = tpu.memref_squeeze %dma_start3A_294 : memref<1x32x768xf32, #tpu.memory_space<vmem>> -> memref<32x768xf32, #tpu.memory_space<vmem>>
      %dma_start3A_296 = arith.constant 0 : i32
      %dma_start3A_297 = tpu.memref_slice %arg4[%add3A_290, %dma_start3A_296] : memref<32768x768xf32, #tpu.memory_space<hbm>> -> memref<32x768xf32, #tpu.memory_space<hbm>>
      %dma_start3A_298 = arith.constant 0 : i32
      %dma_start3A_299 = tpu.memref_slice %arg4[%add3A_290, %dma_start3A_298] : memref<32768x768xf32, #tpu.memory_space<hbm>> -> memref<32x768xf32, #tpu.memory_space<hbm>>
      %dma_start3A_300 = arith.constant 0 : i32
      %dma_start3A_301 = arith.constant 0 : i32
      %dma_start3A_302 = tpu.memref_slice %arg6[%dma_start3A_291, %dma_start3A_300, %dma_start3A_301] : memref<4x32x768xf32, #tpu.memory_space<vmem>> -> memref<1x32x768xf32, #tpu.memory_space<vmem>>
      %dma_start3A_303 = tpu.memref_squeeze %dma_start3A_302 : memref<1x32x768xf32, #tpu.memory_space<vmem>> -> memref<32x768xf32, #tpu.memory_space<vmem>>
      tpu.enqueue_dma source(%dma_start3A_303 : memref<32x768xf32, #tpu.memory_space<vmem>>) target(%dma_start3A_299 : memref<32x768xf32, #tpu.memory_space<hbm>>) target_semaphore(%arg12 : memref<!tpu.dma_semaphore, #tpu.memory_space<semaphore_mem>>)
      %dma_wait3A_304 = arith.constant 1 : i32
      %dma_wait3A_305 = arith.constant 0 : i32
      %dma_wait3A_306 = arith.constant 0 : i32
      %dma_wait3A_307 = tpu.memref_slice %arg6[%dma_wait3A_304, %dma_wait3A_305, %dma_wait3A_306] : memref<4x32x768xf32, #tpu.memory_space<vmem>> -> memref<1x32x768xf32, #tpu.memory_space<vmem>>
      %dma_wait3A_308 = tpu.memref_squeeze %dma_wait3A_307 : memref<1x32x768xf32, #tpu.memory_space<vmem>> -> memref<32x768xf32, #tpu.memory_space<vmem>>
      %dma_wait3A_309 = arith.constant 0 : i32
      %dma_wait3A_310 = tpu.memref_slice %arg4[%mul3A_2, %dma_wait3A_309] : memref<32768x768xf32, #tpu.memory_space<hbm>> -> memref<32x768xf32, #tpu.memory_space<hbm>>
      %dma_wait3A_311 = arith.constant 0 : i32
      %dma_wait3A_312 = tpu.memref_slice %arg4[%mul3A_2, %dma_wait3A_311] : memref<32768x768xf32, #tpu.memory_space<hbm>> -> memref<32x768xf32, #tpu.memory_space<hbm>>
      %dma_wait3A_313 = arith.constant 0 : i32
      %dma_wait3A_314 = arith.constant 0 : i32
      %dma_wait3A_315 = tpu.memref_slice %arg6[%dma_wait3A_304, %dma_wait3A_313, %dma_wait3A_314] : memref<4x32x768xf32, #tpu.memory_space<vmem>> -> memref<1x32x768xf32, #tpu.memory_space<vmem>>
      %dma_wait3A_316 = tpu.memref_squeeze %dma_wait3A_315 : memref<1x32x768xf32, #tpu.memory_space<vmem>> -> memref<32x768xf32, #tpu.memory_space<vmem>>
      tpu.wait_dma2 semaphore(%arg12 : memref<!tpu.dma_semaphore, #tpu.memory_space<semaphore_mem>>) src(%dma_wait3A_316 : memref<32x768xf32, #tpu.memory_space<vmem>>) dst(%dma_wait3A_312 : memref<32x768xf32, #tpu.memory_space<hbm>>)
      %add3A_317 = arith.constant 4 : i32
      %add3A_318 = arith.addi %add3A_275, %add3A_317 : i32
      %dma_start3A_319 = arith.constant 1 : i32
      %dma_start3A_320 = arith.constant 0 : i32
      %dma_start3A_321 = arith.constant 0 : i32
      %dma_start3A_322 = tpu.memref_slice %arg6[%dma_start3A_319, %dma_start3A_320, %dma_start3A_321] : memref<4x32x768xf32, #tpu.memory_space<vmem>> -> memref<1x32x768xf32, #tpu.memory_space<vmem>>
      %dma_start3A_323 = tpu.memref_squeeze %dma_start3A_322 : memref<1x32x768xf32, #tpu.memory_space<vmem>> -> memref<32x768xf32, #tpu.memory_space<vmem>>
      %dma_start3A_324 = arith.constant 0 : i32
      %dma_start3A_325 = tpu.memref_slice %arg5[%add3A_318, %dma_start3A_324] : memref<32x32xi32, #tpu.memory_space<vmem>> -> memref<1x32xi32, #tpu.memory_space<vmem>>
      %dma_start3A_326 = tpu.memref_squeeze %dma_start3A_325 : memref<1x32xi32, #tpu.memory_space<vmem>> -> memref<32xi32, #tpu.memory_space<vmem>>
      %dma_start3A_327 = arith.constant 0 : i32
      %dma_start3A_328 = arith.constant 0 : i32
      %dma_start3A_329 = tpu.memref_slice %arg3[%dma_start3A_327, %dma_start3A_328] : memref<30522x768xf32, #tpu.memory_space<hbm>> -> memref<30522x768xf32, #tpu.memory_space<hbm>>
      tpu.enqueue_indirect_dma source(%dma_start3A_329 : memref<30522x768xf32, #tpu.memory_space<hbm>>) target(%dma_start3A_323 : memref<32x768xf32, #tpu.memory_space<vmem>>) offsets(%dma_start3A_326 : memref<32xi32, #tpu.memory_space<vmem>>) semaphore(%arg8 : memref<!tpu.dma_semaphore, #tpu.memory_space<semaphore_mem>>)
      %mul3A_330 = arith.constant 4 : i32
      %mul3A_331 = arith.muli %scan3A_213, %mul3A_330 : i32
      %add3A_332 = arith.constant 2 : i32
      %add3A_333 = arith.addi %mul3A_331, %add3A_332 : i32
      %dma_wait3A_334 = arith.constant 0 : i32
      %dma_wait3A_335 = arith.constant 2 : i32
      %dma_wait3A_336 = arith.constant 0 : i32
      %dma_wait3A_337 = arith.constant 0 : i32
      %dma_wait3A_338 = tpu.memref_slice %arg6[%dma_wait3A_335, %dma_wait3A_336, %dma_wait3A_337] : memref<4x32x768xf32, #tpu.memory_space<vmem>> -> memref<1x32x768xf32, #tpu.memory_space<vmem>>
      %dma_wait3A_339 = tpu.memref_squeeze %dma_wait3A_338 : memref<1x32x768xf32, #tpu.memory_space<vmem>> -> memref<32x768xf32, #tpu.memory_space<vmem>>
      %dma_wait3A_340 = arith.constant 0 : i32
      %dma_wait3A_341 = tpu.memref_slice %arg5[%dma_wait3A_334, %dma_wait3A_340] : memref<32x32xi32, #tpu.memory_space<vmem>> -> memref<1x32xi32, #tpu.memory_space<vmem>>
      %dma_wait3A_342 = tpu.memref_squeeze %dma_wait3A_341 : memref<1x32xi32, #tpu.memory_space<vmem>> -> memref<32xi32, #tpu.memory_space<vmem>>
      %dma_wait3A_343 = arith.constant 0 : i32
      %dma_wait3A_344 = arith.constant 0 : i32
      %dma_wait3A_345 = tpu.memref_slice %arg3[%dma_wait3A_343, %dma_wait3A_344] : memref<30522x768xf32, #tpu.memory_space<hbm>> -> memref<30522x768xf32, #tpu.memory_space<hbm>>
      tpu.wait_indirect_dma semaphore(%arg9 : memref<!tpu.dma_semaphore, #tpu.memory_space<semaphore_mem>>) src(%dma_wait3A_345 : memref<30522x768xf32, #tpu.memory_space<hbm>>) dst(%dma_wait3A_339 : memref<32x768xf32, #tpu.memory_space<vmem>>)
      %mul3A_346 = arith.constant 32 : i32
      %mul3A_347 = arith.muli %add3A_333, %mul3A_346 : i32
      %add3A_348 = arith.addi %mul3A_2, %mul3A_347 : i32
      %dma_start3A_349 = arith.constant 2 : i32
      %dma_start3A_350 = arith.constant 0 : i32
      %dma_start3A_351 = arith.constant 0 : i32
      %dma_start3A_352 = tpu.memref_slice %arg6[%dma_start3A_349, %dma_start3A_350, %dma_start3A_351] : memref<4x32x768xf32, #tpu.memory_space<vmem>> -> memref<1x32x768xf32, #tpu.memory_space<vmem>>
      %dma_start3A_353 = tpu.memref_squeeze %dma_start3A_352 : memref<1x32x768xf32, #tpu.memory_space<vmem>> -> memref<32x768xf32, #tpu.memory_space<vmem>>
      %dma_start3A_354 = arith.constant 0 : i32
      %dma_start3A_355 = tpu.memref_slice %arg4[%add3A_348, %dma_start3A_354] : memref<32768x768xf32, #tpu.memory_space<hbm>> -> memref<32x768xf32, #tpu.memory_space<hbm>>
      %dma_start3A_356 = arith.constant 0 : i32
      %dma_start3A_357 = tpu.memref_slice %arg4[%add3A_348, %dma_start3A_356] : memref<32768x768xf32, #tpu.memory_space<hbm>> -> memref<32x768xf32, #tpu.memory_space<hbm>>
      %dma_start3A_358 = arith.constant 0 : i32
      %dma_start3A_359 = arith.constant 0 : i32
      %dma_start3A_360 = tpu.memref_slice %arg6[%dma_start3A_349, %dma_start3A_358, %dma_start3A_359] : memref<4x32x768xf32, #tpu.memory_space<vmem>> -> memref<1x32x768xf32, #tpu.memory_space<vmem>>
      %dma_start3A_361 = tpu.memref_squeeze %dma_start3A_360 : memref<1x32x768xf32, #tpu.memory_space<vmem>> -> memref<32x768xf32, #tpu.memory_space<vmem>>
      tpu.enqueue_dma source(%dma_start3A_361 : memref<32x768xf32, #tpu.memory_space<vmem>>) target(%dma_start3A_357 : memref<32x768xf32, #tpu.memory_space<hbm>>) target_semaphore(%arg13 : memref<!tpu.dma_semaphore, #tpu.memory_space<semaphore_mem>>)
      %dma_wait3A_362 = arith.constant 2 : i32
      %dma_wait3A_363 = arith.constant 0 : i32
      %dma_wait3A_364 = arith.constant 0 : i32
      %dma_wait3A_365 = tpu.memref_slice %arg6[%dma_wait3A_362, %dma_wait3A_363, %dma_wait3A_364] : memref<4x32x768xf32, #tpu.memory_space<vmem>> -> memref<1x32x768xf32, #tpu.memory_space<vmem>>
      %dma_wait3A_366 = tpu.memref_squeeze %dma_wait3A_365 : memref<1x32x768xf32, #tpu.memory_space<vmem>> -> memref<32x768xf32, #tpu.memory_space<vmem>>
      %dma_wait3A_367 = arith.constant 0 : i32
      %dma_wait3A_368 = tpu.memref_slice %arg4[%mul3A_2, %dma_wait3A_367] : memref<32768x768xf32, #tpu.memory_space<hbm>> -> memref<32x768xf32, #tpu.memory_space<hbm>>
      %dma_wait3A_369 = arith.constant 0 : i32
      %dma_wait3A_370 = tpu.memref_slice %arg4[%mul3A_2, %dma_wait3A_369] : memref<32768x768xf32, #tpu.memory_space<hbm>> -> memref<32x768xf32, #tpu.memory_space<hbm>>
      %dma_wait3A_371 = arith.constant 0 : i32
      %dma_wait3A_372 = arith.constant 0 : i32
      %dma_wait3A_373 = tpu.memref_slice %arg6[%dma_wait3A_362, %dma_wait3A_371, %dma_wait3A_372] : memref<4x32x768xf32, #tpu.memory_space<vmem>> -> memref<1x32x768xf32, #tpu.memory_space<vmem>>
      %dma_wait3A_374 = tpu.memref_squeeze %dma_wait3A_373 : memref<1x32x768xf32, #tpu.memory_space<vmem>> -> memref<32x768xf32, #tpu.memory_space<vmem>>
      tpu.wait_dma2 semaphore(%arg13 : memref<!tpu.dma_semaphore, #tpu.memory_space<semaphore_mem>>) src(%dma_wait3A_374 : memref<32x768xf32, #tpu.memory_space<vmem>>) dst(%dma_wait3A_370 : memref<32x768xf32, #tpu.memory_space<hbm>>)
      %add3A_375 = arith.constant 4 : i32
      %add3A_376 = arith.addi %add3A_333, %add3A_375 : i32
      %dma_start3A_377 = arith.constant 2 : i32
      %dma_start3A_378 = arith.constant 0 : i32
      %dma_start3A_379 = arith.constant 0 : i32
      %dma_start3A_380 = tpu.memref_slice %arg6[%dma_start3A_377, %dma_start3A_378, %dma_start3A_379] : memref<4x32x768xf32, #tpu.memory_space<vmem>> -> memref<1x32x768xf32, #tpu.memory_space<vmem>>
      %dma_start3A_381 = tpu.memref_squeeze %dma_start3A_380 : memref<1x32x768xf32, #tpu.memory_space<vmem>> -> memref<32x768xf32, #tpu.memory_space<vmem>>
      %dma_start3A_382 = arith.constant 0 : i32
      %dma_start3A_383 = tpu.memref_slice %arg5[%add3A_376, %dma_start3A_382] : memref<32x32xi32, #tpu.memory_space<vmem>> -> memref<1x32xi32, #tpu.memory_space<vmem>>
      %dma_start3A_384 = tpu.memref_squeeze %dma_start3A_383 : memref<1x32xi32, #tpu.memory_space<vmem>> -> memref<32xi32, #tpu.memory_space<vmem>>
      %dma_start3A_385 = arith.constant 0 : i32
      %dma_start3A_386 = arith.constant 0 : i32
      %dma_start3A_387 = tpu.memref_slice %arg3[%dma_start3A_385, %dma_start3A_386] : memref<30522x768xf32, #tpu.memory_space<hbm>> -> memref<30522x768xf32, #tpu.memory_space<hbm>>
      tpu.enqueue_indirect_dma source(%dma_start3A_387 : memref<30522x768xf32, #tpu.memory_space<hbm>>) target(%dma_start3A_381 : memref<32x768xf32, #tpu.memory_space<vmem>>) offsets(%dma_start3A_384 : memref<32xi32, #tpu.memory_space<vmem>>) semaphore(%arg9 : memref<!tpu.dma_semaphore, #tpu.memory_space<semaphore_mem>>)
      %mul3A_388 = arith.constant 4 : i32
      %mul3A_389 = arith.muli %scan3A_213, %mul3A_388 : i32
      %add3A_390 = arith.constant 3 : i32
      %add3A_391 = arith.addi %mul3A_389, %add3A_390 : i32
      %dma_wait3A_392 = arith.constant 0 : i32
      %dma_wait3A_393 = arith.constant 3 : i32
      %dma_wait3A_394 = arith.constant 0 : i32
      %dma_wait3A_395 = arith.constant 0 : i32
      %dma_wait3A_396 = tpu.memref_slice %arg6[%dma_wait3A_393, %dma_wait3A_394, %dma_wait3A_395] : memref<4x32x768xf32, #tpu.memory_space<vmem>> -> memref<1x32x768xf32, #tpu.memory_space<vmem>>
      %dma_wait3A_397 = tpu.memref_squeeze %dma_wait3A_396 : memref<1x32x768xf32, #tpu.memory_space<vmem>> -> memref<32x768xf32, #tpu.memory_space<vmem>>
      %dma_wait3A_398 = arith.constant 0 : i32
      %dma_wait3A_399 = tpu.memref_slice %arg5[%dma_wait3A_392, %dma_wait3A_398] : memref<32x32xi32, #tpu.memory_space<vmem>> -> memref<1x32xi32, #tpu.memory_space<vmem>>
      %dma_wait3A_400 = tpu.memref_squeeze %dma_wait3A_399 : memref<1x32xi32, #tpu.memory_space<vmem>> -> memref<32xi32, #tpu.memory_space<vmem>>
      %dma_wait3A_401 = arith.constant 0 : i32
      %dma_wait3A_402 = arith.constant 0 : i32
      %dma_wait3A_403 = tpu.memref_slice %arg3[%dma_wait3A_401, %dma_wait3A_402] : memref<30522x768xf32, #tpu.memory_space<hbm>> -> memref<30522x768xf32, #tpu.memory_space<hbm>>
      tpu.wait_indirect_dma semaphore(%arg10 : memref<!tpu.dma_semaphore, #tpu.memory_space<semaphore_mem>>) src(%dma_wait3A_403 : memref<30522x768xf32, #tpu.memory_space<hbm>>) dst(%dma_wait3A_397 : memref<32x768xf32, #tpu.memory_space<vmem>>)
      %mul3A_404 = arith.constant 32 : i32
      %mul3A_405 = arith.muli %add3A_391, %mul3A_404 : i32
      %add3A_406 = arith.addi %mul3A_2, %mul3A_405 : i32
      %dma_start3A_407 = arith.constant 3 : i32
      %dma_start3A_408 = arith.constant 0 : i32
      %dma_start3A_409 = arith.constant 0 : i32
      %dma_start3A_410 = tpu.memref_slice %arg6[%dma_start3A_407, %dma_start3A_408, %dma_start3A_409] : memref<4x32x768xf32, #tpu.memory_space<vmem>> -> memref<1x32x768xf32, #tpu.memory_space<vmem>>
      %dma_start3A_411 = tpu.memref_squeeze %dma_start3A_410 : memref<1x32x768xf32, #tpu.memory_space<vmem>> -> memref<32x768xf32, #tpu.memory_space<vmem>>
      %dma_start3A_412 = arith.constant 0 : i32
      %dma_start3A_413 = tpu.memref_slice %arg4[%add3A_406, %dma_start3A_412] : memref<32768x768xf32, #tpu.memory_space<hbm>> -> memref<32x768xf32, #tpu.memory_space<hbm>>
      %dma_start3A_414 = arith.constant 0 : i32
      %dma_start3A_415 = tpu.memref_slice %arg4[%add3A_406, %dma_start3A_414] : memref<32768x768xf32, #tpu.memory_space<hbm>> -> memref<32x768xf32, #tpu.memory_space<hbm>>
      %dma_start3A_416 = arith.constant 0 : i32
      %dma_start3A_417 = arith.constant 0 : i32
      %dma_start3A_418 = tpu.memref_slice %arg6[%dma_start3A_407, %dma_start3A_416, %dma_start3A_417] : memref<4x32x768xf32, #tpu.memory_space<vmem>> -> memref<1x32x768xf32, #tpu.memory_space<vmem>>
      %dma_start3A_419 = tpu.memref_squeeze %dma_start3A_418 : memref<1x32x768xf32, #tpu.memory_space<vmem>> -> memref<32x768xf32, #tpu.memory_space<vmem>>
      tpu.enqueue_dma source(%dma_start3A_419 : memref<32x768xf32, #tpu.memory_space<vmem>>) target(%dma_start3A_415 : memref<32x768xf32, #tpu.memory_space<hbm>>) target_semaphore(%arg14 : memref<!tpu.dma_semaphore, #tpu.memory_space<semaphore_mem>>)
      %dma_wait3A_420 = arith.constant 3 : i32
      %dma_wait3A_421 = arith.constant 0 : i32
      %dma_wait3A_422 = arith.constant 0 : i32
      %dma_wait3A_423 = tpu.memref_slice %arg6[%dma_wait3A_420, %dma_wait3A_421, %dma_wait3A_422] : memref<4x32x768xf32, #tpu.memory_space<vmem>> -> memref<1x32x768xf32, #tpu.memory_space<vmem>>
      %dma_wait3A_424 = tpu.memref_squeeze %dma_wait3A_423 : memref<1x32x768xf32, #tpu.memory_space<vmem>> -> memref<32x768xf32, #tpu.memory_space<vmem>>
      %dma_wait3A_425 = arith.constant 0 : i32
      %dma_wait3A_426 = tpu.memref_slice %arg4[%mul3A_2, %dma_wait3A_425] : memref<32768x768xf32, #tpu.memory_space<hbm>> -> memref<32x768xf32, #tpu.memory_space<hbm>>
      %dma_wait3A_427 = arith.constant 0 : i32
      %dma_wait3A_428 = tpu.memref_slice %arg4[%mul3A_2, %dma_wait3A_427] : memref<32768x768xf32, #tpu.memory_space<hbm>> -> memref<32x768xf32, #tpu.memory_space<hbm>>
      %dma_wait3A_429 = arith.constant 0 : i32
      %dma_wait3A_430 = arith.constant 0 : i32
      %dma_wait3A_431 = tpu.memref_slice %arg6[%dma_wait3A_420, %dma_wait3A_429, %dma_wait3A_430] : memref<4x32x768xf32, #tpu.memory_space<vmem>> -> memref<1x32x768xf32, #tpu.memory_space<vmem>>
      %dma_wait3A_432 = tpu.memref_squeeze %dma_wait3A_431 : memref<1x32x768xf32, #tpu.memory_space<vmem>> -> memref<32x768xf32, #tpu.memory_space<vmem>>
      tpu.wait_dma2 semaphore(%arg14 : memref<!tpu.dma_semaphore, #tpu.memory_space<semaphore_mem>>) src(%dma_wait3A_432 : memref<32x768xf32, #tpu.memory_space<vmem>>) dst(%dma_wait3A_428 : memref<32x768xf32, #tpu.memory_space<hbm>>)
      %add3A_433 = arith.constant 4 : i32
      %add3A_434 = arith.addi %add3A_391, %add3A_433 : i32
      %dma_start3A_435 = arith.constant 3 : i32
      %dma_start3A_436 = arith.constant 0 : i32
      %dma_start3A_437 = arith.constant 0 : i32
      %dma_start3A_438 = tpu.memref_slice %arg6[%dma_start3A_435, %dma_start3A_436, %dma_start3A_437] : memref<4x32x768xf32, #tpu.memory_space<vmem>> -> memref<1x32x768xf32, #tpu.memory_space<vmem>>
      %dma_start3A_439 = tpu.memref_squeeze %dma_start3A_438 : memref<1x32x768xf32, #tpu.memory_space<vmem>> -> memref<32x768xf32, #tpu.memory_space<vmem>>
      %dma_start3A_440 = arith.constant 0 : i32
      %dma_start3A_441 = tpu.memref_slice %arg5[%add3A_434, %dma_start3A_440] : memref<32x32xi32, #tpu.memory_space<vmem>> -> memref<1x32xi32, #tpu.memory_space<vmem>>
      %dma_start3A_442 = tpu.memref_squeeze %dma_start3A_441 : memref<1x32xi32, #tpu.memory_space<vmem>> -> memref<32xi32, #tpu.memory_space<vmem>>
      %dma_start3A_443 = arith.constant 0 : i32
      %dma_start3A_444 = arith.constant 0 : i32
      %dma_start3A_445 = tpu.memref_slice %arg3[%dma_start3A_443, %dma_start3A_444] : memref<30522x768xf32, #tpu.memory_space<hbm>> -> memref<30522x768xf32, #tpu.memory_space<hbm>>
      tpu.enqueue_indirect_dma source(%dma_start3A_445 : memref<30522x768xf32, #tpu.memory_space<hbm>>) target(%dma_start3A_439 : memref<32x768xf32, #tpu.memory_space<vmem>>) offsets(%dma_start3A_442 : memref<32xi32, #tpu.memory_space<vmem>>) semaphore(%arg10 : memref<!tpu.dma_semaphore, #tpu.memory_space<semaphore_mem>>)
    }
    %scan3A_53 = arith.constant 7 : i32
    %dma_wait3A = arith.constant 0 : i32
    %dma_wait3A_54 = arith.constant 0 : i32
    %dma_wait3A_55 = arith.constant 0 : i32
    %dma_wait3A_56 = arith.constant 0 : i32
    %dma_wait3A_57 = tpu.memref_slice %arg6[%dma_wait3A_54, %dma_wait3A_55, %dma_wait3A_56] : memref<4x32x768xf32, #tpu.memory_space<vmem>> -> memref<1x32x768xf32, #tpu.memory_space<vmem>>
    %dma_wait3A_58 = tpu.memref_squeeze %dma_wait3A_57 : memref<1x32x768xf32, #tpu.memory_space<vmem>> -> memref<32x768xf32, #tpu.memory_space<vmem>>
    %dma_wait3A_59 = arith.constant 0 : i32
    %dma_wait3A_60 = tpu.memref_slice %arg5[%dma_wait3A, %dma_wait3A_59] : memref<32x32xi32, #tpu.memory_space<vmem>> -> memref<1x32xi32, #tpu.memory_space<vmem>>
    %dma_wait3A_61 = tpu.memref_squeeze %dma_wait3A_60 : memref<1x32xi32, #tpu.memory_space<vmem>> -> memref<32xi32, #tpu.memory_space<vmem>>
    %dma_wait3A_62 = arith.constant 0 : i32
    %dma_wait3A_63 = arith.constant 0 : i32
    %dma_wait3A_64 = tpu.memref_slice %arg3[%dma_wait3A_62, %dma_wait3A_63] : memref<30522x768xf32, #tpu.memory_space<hbm>> -> memref<30522x768xf32, #tpu.memory_space<hbm>>
    tpu.wait_indirect_dma semaphore(%arg7 : memref<!tpu.dma_semaphore, #tpu.memory_space<semaphore_mem>>) src(%dma_wait3A_64 : memref<30522x768xf32, #tpu.memory_space<hbm>>) dst(%dma_wait3A_58 : memref<32x768xf32, #tpu.memory_space<vmem>>)
    %add3A_65 = arith.constant 896 : i32
    %add3A_66 = arith.addi %mul3A_2, %add3A_65 : i32
    %dma_start3A_67 = arith.constant 0 : i32
    %dma_start3A_68 = arith.constant 0 : i32
    %dma_start3A_69 = arith.constant 0 : i32
    %dma_start3A_70 = tpu.memref_slice %arg6[%dma_start3A_67, %dma_start3A_68, %dma_start3A_69] : memref<4x32x768xf32, #tpu.memory_space<vmem>> -> memref<1x32x768xf32, #tpu.memory_space<vmem>>
    %dma_start3A_71 = tpu.memref_squeeze %dma_start3A_70 : memref<1x32x768xf32, #tpu.memory_space<vmem>> -> memref<32x768xf32, #tpu.memory_space<vmem>>
    %dma_start3A_72 = arith.constant 0 : i32
    %dma_start3A_73 = tpu.memref_slice %arg4[%add3A_66, %dma_start3A_72] : memref<32768x768xf32, #tpu.memory_space<hbm>> -> memref<32x768xf32, #tpu.memory_space<hbm>>
    %dma_start3A_74 = arith.constant 0 : i32
    %dma_start3A_75 = tpu.memref_slice %arg4[%add3A_66, %dma_start3A_74] : memref<32768x768xf32, #tpu.memory_space<hbm>> -> memref<32x768xf32, #tpu.memory_space<hbm>>
    %dma_start3A_76 = arith.constant 0 : i32
    %dma_start3A_77 = arith.constant 0 : i32
    %dma_start3A_78 = tpu.memref_slice %arg6[%dma_start3A_67, %dma_start3A_76, %dma_start3A_77] : memref<4x32x768xf32, #tpu.memory_space<vmem>> -> memref<1x32x768xf32, #tpu.memory_space<vmem>>
    %dma_start3A_79 = tpu.memref_squeeze %dma_start3A_78 : memref<1x32x768xf32, #tpu.memory_space<vmem>> -> memref<32x768xf32, #tpu.memory_space<vmem>>
    tpu.enqueue_dma source(%dma_start3A_79 : memref<32x768xf32, #tpu.memory_space<vmem>>) target(%dma_start3A_75 : memref<32x768xf32, #tpu.memory_space<hbm>>) target_semaphore(%arg11 : memref<!tpu.dma_semaphore, #tpu.memory_space<semaphore_mem>>)
    %dma_wait3A_80 = arith.constant 0 : i32
    %dma_wait3A_81 = arith.constant 1 : i32
    %dma_wait3A_82 = arith.constant 0 : i32
    %dma_wait3A_83 = arith.constant 0 : i32
    %dma_wait3A_84 = tpu.memref_slice %arg6[%dma_wait3A_81, %dma_wait3A_82, %dma_wait3A_83] : memref<4x32x768xf32, #tpu.memory_space<vmem>> -> memref<1x32x768xf32, #tpu.memory_space<vmem>>
    %dma_wait3A_85 = tpu.memref_squeeze %dma_wait3A_84 : memref<1x32x768xf32, #tpu.memory_space<vmem>> -> memref<32x768xf32, #tpu.memory_space<vmem>>
    %dma_wait3A_86 = arith.constant 0 : i32
    %dma_wait3A_87 = tpu.memref_slice %arg5[%dma_wait3A_80, %dma_wait3A_86] : memref<32x32xi32, #tpu.memory_space<vmem>> -> memref<1x32xi32, #tpu.memory_space<vmem>>
    %dma_wait3A_88 = tpu.memref_squeeze %dma_wait3A_87 : memref<1x32xi32, #tpu.memory_space<vmem>> -> memref<32xi32, #tpu.memory_space<vmem>>
    %dma_wait3A_89 = arith.constant 0 : i32
    %dma_wait3A_90 = arith.constant 0 : i32
    %dma_wait3A_91 = tpu.memref_slice %arg3[%dma_wait3A_89, %dma_wait3A_90] : memref<30522x768xf32, #tpu.memory_space<hbm>> -> memref<30522x768xf32, #tpu.memory_space<hbm>>
    tpu.wait_indirect_dma semaphore(%arg8 : memref<!tpu.dma_semaphore, #tpu.memory_space<semaphore_mem>>) src(%dma_wait3A_91 : memref<30522x768xf32, #tpu.memory_space<hbm>>) dst(%dma_wait3A_85 : memref<32x768xf32, #tpu.memory_space<vmem>>)
    %add3A_92 = arith.constant 928 : i32
    %add3A_93 = arith.addi %mul3A_2, %add3A_92 : i32
    %dma_start3A_94 = arith.constant 1 : i32
    %dma_start3A_95 = arith.constant 0 : i32
    %dma_start3A_96 = arith.constant 0 : i32
    %dma_start3A_97 = tpu.memref_slice %arg6[%dma_start3A_94, %dma_start3A_95, %dma_start3A_96] : memref<4x32x768xf32, #tpu.memory_space<vmem>> -> memref<1x32x768xf32, #tpu.memory_space<vmem>>
    %dma_start3A_98 = tpu.memref_squeeze %dma_start3A_97 : memref<1x32x768xf32, #tpu.memory_space<vmem>> -> memref<32x768xf32, #tpu.memory_space<vmem>>
    %dma_start3A_99 = arith.constant 0 : i32
    %dma_start3A_100 = tpu.memref_slice %arg4[%add3A_93, %dma_start3A_99] : memref<32768x768xf32, #tpu.memory_space<hbm>> -> memref<32x768xf32, #tpu.memory_space<hbm>>
    %dma_start3A_101 = arith.constant 0 : i32
    %dma_start3A_102 = tpu.memref_slice %arg4[%add3A_93, %dma_start3A_101] : memref<32768x768xf32, #tpu.memory_space<hbm>> -> memref<32x768xf32, #tpu.memory_space<hbm>>
    %dma_start3A_103 = arith.constant 0 : i32
    %dma_start3A_104 = arith.constant 0 : i32
    %dma_start3A_105 = tpu.memref_slice %arg6[%dma_start3A_94, %dma_start3A_103, %dma_start3A_104] : memref<4x32x768xf32, #tpu.memory_space<vmem>> -> memref<1x32x768xf32, #tpu.memory_space<vmem>>
    %dma_start3A_106 = tpu.memref_squeeze %dma_start3A_105 : memref<1x32x768xf32, #tpu.memory_space<vmem>> -> memref<32x768xf32, #tpu.memory_space<vmem>>
    tpu.enqueue_dma source(%dma_start3A_106 : memref<32x768xf32, #tpu.memory_space<vmem>>) target(%dma_start3A_102 : memref<32x768xf32, #tpu.memory_space<hbm>>) target_semaphore(%arg12 : memref<!tpu.dma_semaphore, #tpu.memory_space<semaphore_mem>>)
    %dma_wait3A_107 = arith.constant 0 : i32
    %dma_wait3A_108 = arith.constant 2 : i32
    %dma_wait3A_109 = arith.constant 0 : i32
    %dma_wait3A_110 = arith.constant 0 : i32
    %dma_wait3A_111 = tpu.memref_slice %arg6[%dma_wait3A_108, %dma_wait3A_109, %dma_wait3A_110] : memref<4x32x768xf32, #tpu.memory_space<vmem>> -> memref<1x32x768xf32, #tpu.memory_space<vmem>>
    %dma_wait3A_112 = tpu.memref_squeeze %dma_wait3A_111 : memref<1x32x768xf32, #tpu.memory_space<vmem>> -> memref<32x768xf32, #tpu.memory_space<vmem>>
    %dma_wait3A_113 = arith.constant 0 : i32
    %dma_wait3A_114 = tpu.memref_slice %arg5[%dma_wait3A_107, %dma_wait3A_113] : memref<32x32xi32, #tpu.memory_space<vmem>> -> memref<1x32xi32, #tpu.memory_space<vmem>>
    %dma_wait3A_115 = tpu.memref_squeeze %dma_wait3A_114 : memref<1x32xi32, #tpu.memory_space<vmem>> -> memref<32xi32, #tpu.memory_space<vmem>>
    %dma_wait3A_116 = arith.constant 0 : i32
    %dma_wait3A_117 = arith.constant 0 : i32
    %dma_wait3A_118 = tpu.memref_slice %arg3[%dma_wait3A_116, %dma_wait3A_117] : memref<30522x768xf32, #tpu.memory_space<hbm>> -> memref<30522x768xf32, #tpu.memory_space<hbm>>
    tpu.wait_indirect_dma semaphore(%arg9 : memref<!tpu.dma_semaphore, #tpu.memory_space<semaphore_mem>>) src(%dma_wait3A_118 : memref<30522x768xf32, #tpu.memory_space<hbm>>) dst(%dma_wait3A_112 : memref<32x768xf32, #tpu.memory_space<vmem>>)
    %add3A_119 = arith.constant 960 : i32
    %add3A_120 = arith.addi %mul3A_2, %add3A_119 : i32
    %dma_start3A_121 = arith.constant 2 : i32
    %dma_start3A_122 = arith.constant 0 : i32
    %dma_start3A_123 = arith.constant 0 : i32
    %dma_start3A_124 = tpu.memref_slice %arg6[%dma_start3A_121, %dma_start3A_122, %dma_start3A_123] : memref<4x32x768xf32, #tpu.memory_space<vmem>> -> memref<1x32x768xf32, #tpu.memory_space<vmem>>
    %dma_start3A_125 = tpu.memref_squeeze %dma_start3A_124 : memref<1x32x768xf32, #tpu.memory_space<vmem>> -> memref<32x768xf32, #tpu.memory_space<vmem>>
    %dma_start3A_126 = arith.constant 0 : i32
    %dma_start3A_127 = tpu.memref_slice %arg4[%add3A_120, %dma_start3A_126] : memref<32768x768xf32, #tpu.memory_space<hbm>> -> memref<32x768xf32, #tpu.memory_space<hbm>>
    %dma_start3A_128 = arith.constant 0 : i32
    %dma_start3A_129 = tpu.memref_slice %arg4[%add3A_120, %dma_start3A_128] : memref<32768x768xf32, #tpu.memory_space<hbm>> -> memref<32x768xf32, #tpu.memory_space<hbm>>
    %dma_start3A_130 = arith.constant 0 : i32
    %dma_start3A_131 = arith.constant 0 : i32
    %dma_start3A_132 = tpu.memref_slice %arg6[%dma_start3A_121, %dma_start3A_130, %dma_start3A_131] : memref<4x32x768xf32, #tpu.memory_space<vmem>> -> memref<1x32x768xf32, #tpu.memory_space<vmem>>
    %dma_start3A_133 = tpu.memref_squeeze %dma_start3A_132 : memref<1x32x768xf32, #tpu.memory_space<vmem>> -> memref<32x768xf32, #tpu.memory_space<vmem>>
    tpu.enqueue_dma source(%dma_start3A_133 : memref<32x768xf32, #tpu.memory_space<vmem>>) target(%dma_start3A_129 : memref<32x768xf32, #tpu.memory_space<hbm>>) target_semaphore(%arg13 : memref<!tpu.dma_semaphore, #tpu.memory_space<semaphore_mem>>)
    %dma_wait3A_134 = arith.constant 0 : i32
    %dma_wait3A_135 = arith.constant 3 : i32
    %dma_wait3A_136 = arith.constant 0 : i32
    %dma_wait3A_137 = arith.constant 0 : i32
    %dma_wait3A_138 = tpu.memref_slice %arg6[%dma_wait3A_135, %dma_wait3A_136, %dma_wait3A_137] : memref<4x32x768xf32, #tpu.memory_space<vmem>> -> memref<1x32x768xf32, #tpu.memory_space<vmem>>
    %dma_wait3A_139 = tpu.memref_squeeze %dma_wait3A_138 : memref<1x32x768xf32, #tpu.memory_space<vmem>> -> memref<32x768xf32, #tpu.memory_space<vmem>>
    %dma_wait3A_140 = arith.constant 0 : i32
    %dma_wait3A_141 = tpu.memref_slice %arg5[%dma_wait3A_134, %dma_wait3A_140] : memref<32x32xi32, #tpu.memory_space<vmem>> -> memref<1x32xi32, #tpu.memory_space<vmem>>
    %dma_wait3A_142 = tpu.memref_squeeze %dma_wait3A_141 : memref<1x32xi32, #tpu.memory_space<vmem>> -> memref<32xi32, #tpu.memory_space<vmem>>
    %dma_wait3A_143 = arith.constant 0 : i32
    %dma_wait3A_144 = arith.constant 0 : i32
    %dma_wait3A_145 = tpu.memref_slice %arg3[%dma_wait3A_143, %dma_wait3A_144] : memref<30522x768xf32, #tpu.memory_space<hbm>> -> memref<30522x768xf32, #tpu.memory_space<hbm>>
    tpu.wait_indirect_dma semaphore(%arg10 : memref<!tpu.dma_semaphore, #tpu.memory_space<semaphore_mem>>) src(%dma_wait3A_145 : memref<30522x768xf32, #tpu.memory_space<hbm>>) dst(%dma_wait3A_139 : memref<32x768xf32, #tpu.memory_space<vmem>>)
    %add3A_146 = arith.constant 992 : i32
    %add3A_147 = arith.addi %mul3A_2, %add3A_146 : i32
    %dma_start3A_148 = arith.constant 3 : i32
    %dma_start3A_149 = arith.constant 0 : i32
    %dma_start3A_150 = arith.constant 0 : i32
    %dma_start3A_151 = tpu.memref_slice %arg6[%dma_start3A_148, %dma_start3A_149, %dma_start3A_150] : memref<4x32x768xf32, #tpu.memory_space<vmem>> -> memref<1x32x768xf32, #tpu.memory_space<vmem>>
    %dma_start3A_152 = tpu.memref_squeeze %dma_start3A_151 : memref<1x32x768xf32, #tpu.memory_space<vmem>> -> memref<32x768xf32, #tpu.memory_space<vmem>>
    %dma_start3A_153 = arith.constant 0 : i32
    %dma_start3A_154 = tpu.memref_slice %arg4[%add3A_147, %dma_start3A_153] : memref<32768x768xf32, #tpu.memory_space<hbm>> -> memref<32x768xf32, #tpu.memory_space<hbm>>
    %dma_start3A_155 = arith.constant 0 : i32
    %dma_start3A_156 = tpu.memref_slice %arg4[%add3A_147, %dma_start3A_155] : memref<32768x768xf32, #tpu.memory_space<hbm>> -> memref<32x768xf32, #tpu.memory_space<hbm>>
    %dma_start3A_157 = arith.constant 0 : i32
    %dma_start3A_158 = arith.constant 0 : i32
    %dma_start3A_159 = tpu.memref_slice %arg6[%dma_start3A_148, %dma_start3A_157, %dma_start3A_158] : memref<4x32x768xf32, #tpu.memory_space<vmem>> -> memref<1x32x768xf32, #tpu.memory_space<vmem>>
    %dma_start3A_160 = tpu.memref_squeeze %dma_start3A_159 : memref<1x32x768xf32, #tpu.memory_space<vmem>> -> memref<32x768xf32, #tpu.memory_space<vmem>>
    tpu.enqueue_dma source(%dma_start3A_160 : memref<32x768xf32, #tpu.memory_space<vmem>>) target(%dma_start3A_156 : memref<32x768xf32, #tpu.memory_space<hbm>>) target_semaphore(%arg14 : memref<!tpu.dma_semaphore, #tpu.memory_space<semaphore_mem>>)
    %dma_wait3A_161 = arith.constant 0 : i32
    %dma_wait3A_162 = arith.constant 0 : i32
    %dma_wait3A_163 = arith.constant 0 : i32
    %dma_wait3A_164 = tpu.memref_slice %arg6[%dma_wait3A_161, %dma_wait3A_162, %dma_wait3A_163] : memref<4x32x768xf32, #tpu.memory_space<vmem>> -> memref<1x32x768xf32, #tpu.memory_space<vmem>>
    %dma_wait3A_165 = tpu.memref_squeeze %dma_wait3A_164 : memref<1x32x768xf32, #tpu.memory_space<vmem>> -> memref<32x768xf32, #tpu.memory_space<vmem>>
    %dma_wait3A_166 = arith.constant 0 : i32
    %dma_wait3A_167 = tpu.memref_slice %arg4[%mul3A_2, %dma_wait3A_166] : memref<32768x768xf32, #tpu.memory_space<hbm>> -> memref<32x768xf32, #tpu.memory_space<hbm>>
    %dma_wait3A_168 = arith.constant 0 : i32
    %dma_wait3A_169 = tpu.memref_slice %arg4[%mul3A_2, %dma_wait3A_168] : memref<32768x768xf32, #tpu.memory_space<hbm>> -> memref<32x768xf32, #tpu.memory_space<hbm>>
    %dma_wait3A_170 = arith.constant 0 : i32
    %dma_wait3A_171 = arith.constant 0 : i32
    %dma_wait3A_172 = tpu.memref_slice %arg6[%dma_wait3A_161, %dma_wait3A_170, %dma_wait3A_171] : memref<4x32x768xf32, #tpu.memory_space<vmem>> -> memref<1x32x768xf32, #tpu.memory_space<vmem>>
    %dma_wait3A_173 = tpu.memref_squeeze %dma_wait3A_172 : memref<1x32x768xf32, #tpu.memory_space<vmem>> -> memref<32x768xf32, #tpu.memory_space<vmem>>
    tpu.wait_dma2 semaphore(%arg11 : memref<!tpu.dma_semaphore, #tpu.memory_space<semaphore_mem>>) src(%dma_wait3A_173 : memref<32x768xf32, #tpu.memory_space<vmem>>) dst(%dma_wait3A_169 : memref<32x768xf32, #tpu.memory_space<hbm>>)
    %dma_wait3A_174 = arith.constant 1 : i32
    %dma_wait3A_175 = arith.constant 0 : i32
    %dma_wait3A_176 = arith.constant 0 : i32
    %dma_wait3A_177 = tpu.memref_slice %arg6[%dma_wait3A_174, %dma_wait3A_175, %dma_wait3A_176] : memref<4x32x768xf32, #tpu.memory_space<vmem>> -> memref<1x32x768xf32, #tpu.memory_space<vmem>>
    %dma_wait3A_178 = tpu.memref_squeeze %dma_wait3A_177 : memref<1x32x768xf32, #tpu.memory_space<vmem>> -> memref<32x768xf32, #tpu.memory_space<vmem>>
    %dma_wait3A_179 = arith.constant 0 : i32
    %dma_wait3A_180 = tpu.memref_slice %arg4[%mul3A_2, %dma_wait3A_179] : memref<32768x768xf32, #tpu.memory_space<hbm>> -> memref<32x768xf32, #tpu.memory_space<hbm>>
    %dma_wait3A_181 = arith.constant 0 : i32
    %dma_wait3A_182 = tpu.memref_slice %arg4[%mul3A_2, %dma_wait3A_181] : memref<32768x768xf32, #tpu.memory_space<hbm>> -> memref<32x768xf32, #tpu.memory_space<hbm>>
    %dma_wait3A_183 = arith.constant 0 : i32
    %dma_wait3A_184 = arith.constant 0 : i32
    %dma_wait3A_185 = tpu.memref_slice %arg6[%dma_wait3A_174, %dma_wait3A_183, %dma_wait3A_184] : memref<4x32x768xf32, #tpu.memory_space<vmem>> -> memref<1x32x768xf32, #tpu.memory_space<vmem>>
    %dma_wait3A_186 = tpu.memref_squeeze %dma_wait3A_185 : memref<1x32x768xf32, #tpu.memory_space<vmem>> -> memref<32x768xf32, #tpu.memory_space<vmem>>
    tpu.wait_dma2 semaphore(%arg12 : memref<!tpu.dma_semaphore, #tpu.memory_space<semaphore_mem>>) src(%dma_wait3A_186 : memref<32x768xf32, #tpu.memory_space<vmem>>) dst(%dma_wait3A_182 : memref<32x768xf32, #tpu.memory_space<hbm>>)
    %dma_wait3A_187 = arith.constant 2 : i32
    %dma_wait3A_188 = arith.constant 0 : i32
    %dma_wait3A_189 = arith.constant 0 : i32
    %dma_wait3A_190 = tpu.memref_slice %arg6[%dma_wait3A_187, %dma_wait3A_188, %dma_wait3A_189] : memref<4x32x768xf32, #tpu.memory_space<vmem>> -> memref<1x32x768xf32, #tpu.memory_space<vmem>>
    %dma_wait3A_191 = tpu.memref_squeeze %dma_wait3A_190 : memref<1x32x768xf32, #tpu.memory_space<vmem>> -> memref<32x768xf32, #tpu.memory_space<vmem>>
    %dma_wait3A_192 = arith.constant 0 : i32
    %dma_wait3A_193 = tpu.memref_slice %arg4[%mul3A_2, %dma_wait3A_192] : memref<32768x768xf32, #tpu.memory_space<hbm>> -> memref<32x768xf32, #tpu.memory_space<hbm>>
    %dma_wait3A_194 = arith.constant 0 : i32
    %dma_wait3A_195 = tpu.memref_slice %arg4[%mul3A_2, %dma_wait3A_194] : memref<32768x768xf32, #tpu.memory_space<hbm>> -> memref<32x768xf32, #tpu.memory_space<hbm>>
    %dma_wait3A_196 = arith.constant 0 : i32
    %dma_wait3A_197 = arith.constant 0 : i32
    %dma_wait3A_198 = tpu.memref_slice %arg6[%dma_wait3A_187, %dma_wait3A_196, %dma_wait3A_197] : memref<4x32x768xf32, #tpu.memory_space<vmem>> -> memref<1x32x768xf32, #tpu.memory_space<vmem>>
    %dma_wait3A_199 = tpu.memref_squeeze %dma_wait3A_198 : memref<1x32x768xf32, #tpu.memory_space<vmem>> -> memref<32x768xf32, #tpu.memory_space<vmem>>
    tpu.wait_dma2 semaphore(%arg13 : memref<!tpu.dma_semaphore, #tpu.memory_space<semaphore_mem>>) src(%dma_wait3A_199 : memref<32x768xf32, #tpu.memory_space<vmem>>) dst(%dma_wait3A_195 : memref<32x768xf32, #tpu.memory_space<hbm>>)
    %dma_wait3A_200 = arith.constant 3 : i32
    %dma_wait3A_201 = arith.constant 0 : i32
    %dma_wait3A_202 = arith.constant 0 : i32
    %dma_wait3A_203 = tpu.memref_slice %arg6[%dma_wait3A_200, %dma_wait3A_201, %dma_wait3A_202] : memref<4x32x768xf32, #tpu.memory_space<vmem>> -> memref<1x32x768xf32, #tpu.memory_space<vmem>>
    %dma_wait3A_204 = tpu.memref_squeeze %dma_wait3A_203 : memref<1x32x768xf32, #tpu.memory_space<vmem>> -> memref<32x768xf32, #tpu.memory_space<vmem>>
    %dma_wait3A_205 = arith.constant 0 : i32
    %dma_wait3A_206 = tpu.memref_slice %arg4[%mul3A_2, %dma_wait3A_205] : memref<32768x768xf32, #tpu.memory_space<hbm>> -> memref<32x768xf32, #tpu.memory_space<hbm>>
    %dma_wait3A_207 = arith.constant 0 : i32
    %dma_wait3A_208 = tpu.memref_slice %arg4[%mul3A_2, %dma_wait3A_207] : memref<32768x768xf32, #tpu.memory_space<hbm>> -> memref<32x768xf32, #tpu.memory_space<hbm>>
    %dma_wait3A_209 = arith.constant 0 : i32
    %dma_wait3A_210 = arith.constant 0 : i32
    %dma_wait3A_211 = tpu.memref_slice %arg6[%dma_wait3A_200, %dma_wait3A_209, %dma_wait3A_210] : memref<4x32x768xf32, #tpu.memory_space<vmem>> -> memref<1x32x768xf32, #tpu.memory_space<vmem>>
    %dma_wait3A_212 = tpu.memref_squeeze %dma_wait3A_211 : memref<1x32x768xf32, #tpu.memory_space<vmem>> -> memref<32x768xf32, #tpu.memory_space<vmem>>
    tpu.wait_dma2 semaphore(%arg14 : memref<!tpu.dma_semaphore, #tpu.memory_space<semaphore_mem>>) src(%dma_wait3A_212 : memref<32x768xf32, #tpu.memory_space<vmem>>) dst(%dma_wait3A_208 : memref<32x768xf32, #tpu.memory_space<hbm>>)
    return
  }
}

</mosaic_0001>

<sc_bundles>
// kernel: kernel.3.cloned.1.call-start
scs
__scs_entry_jumppad:
0x0: {  	(pc) =	sbr.rel $0x88, $3  }
0x1: {  	(tag) =	ssettag $0x0;
	lr =	simm.s32 $0x1  }
0x2: {  	[smem:$0x3F9F] =	sst lr;
	_ =	strace $0xD0000000  }
0x3: {  	_ = 	snop  }
0x4: {  	_ = 	snop  }
0x5: {  	_ = 	snop  }
0x6: {  	_ = 	snop  }
0x7: {  	_ = 	snop  }
__scs_overlays_trampoline_lowered:
0x8: {  	[smem:$0x3FAE] =	sst s0  }
0x9: {  	[smem:$0x3FAF] =	sst s1  }
0xa: {  	[smem:$0x3FB0] =	sst s2  }
0xb: {  	[smem:$0x3FB1] =	sst s3  }
0xc: {  	[smem:$0x3FB2] =	sst s4  }
0xd: {  	[smem:$0x3FB3] =	sst s5  }
0xe: {  	[smem:$0x3FB4] =	sst s6  }
0xf: {  	[smem:$0x3FB5] =	sst s7  }
0x10: {  	[smem:$0x3FB6] =	sst s8  }
0x11: {  	[smem:$0x3FB7] =	sst s9;
	s0 =	simm.s32 @!p0 $0x0  }
0x12: {  	s1 =	sld [smem:$0x3F9D];
	s0 =	simm.s32 @p0 $0x1  }
0x13: {  	[smem:$0x3FB8] =	sst s0;
	s0 =	simm.s32 @!p1 $0x0  }
0x14: {  	s2 =	sld [smem:$0x3F9C];
	s0 =	simm.s32 @p1 $0x1  }
0x15: {  	[smem:$0x3FB9] =	sst s0;
	s0 =	simm.s32 @!p2 $0x0  }
0x16: {  	s3 =	sld [smem:$0x3FDB];
	s0 =	simm.s32 @p2 $0x1  }
0x17: {  	s4 =	simm.s32 $0x1BF5;
	[smem:$0x3FBB] =	sst s0  }
0x18: {  	s0 =	sld [smem:$0x3F9E];
	_ =	swait.ge [sflag:s4], $0x0  }
0x19: {  	s7 =	sld [smem:$0x3F9F]  }
0x1a: {  	s8 =	sadd.s32 $0xFFFFE003, lr  }
0x1b: {  	s9 =	sadd.s32 $0xFFFFFEF7, lr;
	s5 =	simm.s32 $0xFFFFFFFF;
	p2 =	slt.u32 s8, $0xFFFFF086  }
0x1c: {  	p1 =	slt.u32 s9, $0xF7A;
	s5 =	simm.s32 @!p2 $0x0  }
0x1d: {  	s5 =	simm.s32 @p1 $0x1;
	p0 =	seq.s32 s7, s2  }
0x1e: {  	s7 =	smul.u32 @!p0 $0xF7A, s2;
	p2 =	seq.s32 @!p0 s5, $0x0  }
0x1f: {  	s9 =	smul.u32 $0xF7A, s1;
	s8 =	simm.s32 @!p0 $0x1BF5;
	p2 =	por !p2, p0  }
0x20: {  	[sflag:s8] =	ssyncset.s32 @!p0 $0xFFFFF086;
	s6 =	sadd.s32 @!p0 s3, s7;
	s7 =	simm.s32 @!p0 $0x108  }
0x21: {  	s3 =	sadd.s32 s3, s9;
	s6 =	sadd.s32 @!p0 $0x88, s6;
	s7 =	simm.s32 @p2 $0x1082  }
0x22: {  	[simem:s7], [sflag:s8] =	dma.local @!p0 [hbm:s6], $0xF7A  }
0x23: {  	s9 =	sor.u32 $0xD0000000, s2;
	s6 =	simm.s32 $0x108;
	_ =	swait.ge @!p0 [sflag:s8], $0x0  }
0x24: {  	s3 =	sadd.s32 $0x88, s3;
	s6 =	simm.s32 @!p1 $0x1082;
	[sflag:s4] =	ssyncset.s32 $0xFFFFF086  }
0x25: {  	[simem:s6], [sflag:s4] =	dma.local [hbm:s3], $0xF7A  }
0x26: {  	[smem:$0x3F9F] =	sst s1;
	(tag) =	ssettag s2;
	_ =	strace s9  }
0x27: {  	s1 =	sld [smem:$0x3FAF]  }
0x28: {  	s2 =	sld [smem:$0x3FB0]  }
0x29: {  	s4 =	sld [smem:$0x3FB2]  }
0x2a: {  	p0 =	seq.s32 s5, $0x0;
	s5 =	sld [smem:$0x3FB3]  }
0x2b: {  	s6 =	sld [smem:$0x3FB4]  }
0x2c: {  	s7 =	sld [smem:$0x3FB5]  }
0x2d: {  	s3 =	simm.s32 $0x108;
	s8 =	sld [smem:$0x3FB6]  }
0x2e: {  	s3 =	simm.s32 @!p0 $0x1082;
	s9 =	sld [smem:$0x3FB7]  }
0x2f: {  	lr =	sadd.s32 s0, s3;
	s0 =	sld [smem:$0x3FAE]  }
0x30: {  	s3 =	sld [smem:$0x3FB1]  }
0x31: {  	[smem:$0x3FBA] =	sst s10  }
0x32: {  	s10 =	sld [smem:$0x3FB8];
	_ =	sdelay $0x3  }
0x33: {  	p0 =	seq.s32 s10, $0x1;
	s10 =	sld [smem:$0x3FBA];
	_ =	sdelay $0x3  }
0x34: {  	[smem:$0x3FBA] =	sst s10  }
0x35: {  	s10 =	sld [smem:$0x3FB9];
	_ =	sdelay $0x3  }
0x36: {  	p1 =	seq.s32 s10, $0x1;
	s10 =	sld [smem:$0x3FBA];
	_ =	sdelay $0x3  }
0x37: {  	[smem:$0x3FBA] =	sst s10  }
0x38: {  	s10 =	sld [smem:$0x3FBB]  }
0x39: {  	_ = 	snop;
	(pc) =	sbr.ind lr, $3  }
0x3a: {  	_ = 	snop  }
0x3b: {  	_ = 	snop  }
0x3c: {  	p2 =	seq.s32 s10, $0x1;
	s10 =	sld [smem:$0x3FBA]  }
0x3d: {  	_ =	shalt  }
0x3e: {  	_ =	shalt  }
0x3f: {  	_ =	shalt  }
0x40: {  	_ =	shalt  }
0x41: {  	_ =	shalt  }
0x42: {  	_ =	shalt  }
0x43: {  	_ =	shalt  }
0x44: {  	_ =	shalt  }
0x45: {  	_ =	shalt  }
0x46: {  	_ =	shalt  }
0x47: {  	_ =	shalt  }
0x48: {  	_ =	shalt  }
0x49: {  	_ =	shalt  }
0x4a: {  	_ =	shalt  }
0x4b: {  	_ =	shalt  }
0x4c: {  	_ =	shalt  }
0x4d: {  	_ =	shalt  }
0x4e: {  	_ =	shalt  }
0x4f: {  	_ =	shalt  }
0x50: {  	_ =	shalt  }
0x51: {  	_ =	shalt  }
0x52: {  	_ =	shalt  }
0x53: {  	_ =	shalt  }
0x54: {  	_ =	shalt  }
0x55: {  	_ =	shalt  }
0x56: {  	_ =	shalt  }
0x57: {  	_ =	shalt  }
0x58: {  	_ =	shalt  }
0x59: {  	_ =	shalt  }
0x5a: {  	_ =	shalt  }
0x5b: {  	_ =	shalt  }
0x5c: {  	_ =	shalt  }
0x5d: {  	_ =	shalt  }
0x5e: {  	_ =	shalt  }
0x5f: {  	_ =	shalt  }
0x60: {  	_ =	shalt  }
0x61: {  	_ =	shalt  }
0x62: {  	_ =	shalt  }
0x63: {  	_ =	shalt  }
0x64: {  	_ =	shalt  }
0x65: {  	_ =	shalt  }
0x66: {  	_ =	shalt  }
0x67: {  	_ =	shalt  }
0x68: {  	_ =	shalt  }
0x69: {  	_ =	shalt  }
0x6a: {  	_ =	shalt  }
0x6b: {  	_ =	shalt  }
0x6c: {  	_ =	shalt  }
0x6d: {  	_ =	shalt  }
0x6e: {  	_ =	shalt  }
0x6f: {  	_ =	shalt  }
0x70: {  	_ =	shalt  }
0x71: {  	_ =	shalt  }
0x72: {  	_ =	shalt  }
0x73: {  	_ =	shalt  }
0x74: {  	_ =	shalt  }
0x75: {  	_ =	shalt  }
0x76: {  	_ =	shalt  }
0x77: {  	_ =	shalt  }
0x78: {  	_ =	shalt  }
0x79: {  	_ =	shalt  }
0x7a: {  	_ =	shalt  }
0x7b: {  	_ =	shalt  }
0x7c: {  	_ =	shalt  }
0x7d: {  	_ =	shalt  }
0x7e: {  	_ =	shalt  }
0x7f: {  	_ =	shalt  }
0x80: {  	_ =	shalt  }
0x81: {  	_ =	shalt  }
0x82: {  	_ =	shalt  }
0x83: {  	_ =	shalt  }
0x84: {  	_ =	shalt  }
0x85: {  	_ =	shalt  }
0x86: {  	_ =	shalt  }
0x87: {  	_ =	shalt  }
.Lfunc_end0:
.L_simem_size_0:
called_computation_lowered:
.L_overlay_start_0:
0x88: {  	s2 =	sld [smem:$0x3FD9]  }
0x89: {  	s3 =	sld [smem:$0x3FFE];
	_ =	sdelay $0x1  }
0x8a: {  	s1 =	srdreg.scid  }
0x8b: {  	s0 =	sand.u32 $0x1, s1  }
0x8c: {  	s17 =	sshll.u32 s0, $0xA;
	s2 =	sadd.s32 s3, s2  }
0x8d: {  	s2 =	sadd.s32 s2, s17  }
0x8e: {  	[smem:$0x3FC6] =	sst s2  }
0x8f: {  	_ = 	snop  }
0x90: {  	s2 =	sld [smem:$0x3FC8]  }
0x91: {  	s18 =	sld [smem:$0x3FD0];
	(tm) =	ssettm $0x1  }
0x92: {  	s4 =	sld [smem:$0x3FFB];
	_ =	sdelay $0x3  }
0x93: {  	_ =	strace s4  }
0x94: {  	s4 =	sld [smem:$0x3FFC];
	_ =	sdelay $0x3  }
0x95: {  	_ =	strace s4  }
0x96: {  	s4 =	sld [smem:$0x3FFD];
	_ =	sdelay $0x3  }
0x97: {  	_ =	strace s4  }
0x98: {  	_ =	strace $0x8FFFFFFF  }
0x99: {  	s19 =	sld [smem:$0x3FDB];
	_ =	sdelay $0x1  }
0x9a: {  	s5 =	simm.s32 $_scs_section_size  }
0x9b: {  	s6 =	simm.s32 $_size__tile_overlayer_lowered;
	s7 =	simm.s32 $_tile_overlayer_lowered  }
0x9c: {  	s22 =	simm.s32 $0x1BFF;
	s21 =	sshll.u32 s7, $0x1;
	s4 =	sadd.s32 s5, s19  }
0x9d: {  	s8 =	simm.s32 $0x0;
	s20 =	sshll.u32 s6, $0x1;
	s6 =	sadd.s32 s21, s4  }
0x9e: {  	[timem:s8], [sflag:s22] =	dma.local [hbm:s6], s20  }
0x9f: {  	_ =	swait.ge [sflag:s22], s20  }
0xa0: {  	s5 =	ssub.s32 $0x0, s20;
	[sflag:s22] =	ssyncset.done $0x0  }
0xa1: {  	[sflag:s22] =	ssyncadd.s32 s5;
	_ =	sdelay $0x1  }
0xa2: {  	s23 =	simm.s32 $0x1B8B  }
0xa3: {  	_ =	swait.ge [sflag:s23], $0x1  }
0xa4: {  	[sflag:s23] =	ssyncset.done $0x0  }
0xa5: {  	s25 =	simm.s32 $0x1B8E;
	s24 =	sld [smem:$0x3FFE];
	[sflag:s23] =	ssyncadd.s32 $0xFFFFFFFF  }
0xa6: {  	s26 =	simm.s32 $execute0_lowered;
	[smem:$0x3FD2] =	sst s25  }
0xa7: {  	s6 =	sshll.u32 s26, $0x1;
	_ =	strace $0x80000046;
	[dreg:$0x1] =	wrdreg $0xFFFFFFFF  }
0xa8: {  	s28 =	simm.s32 $_size_execute0_lowered;
	s4 =	sadd.s32 s4, s6;
	[dreg:$0x0] =	wrdreg $0x0  }
0xa9: {  	s6 =	sshll.u32 s28, $0x1;
	[dreg:$0x2] =	wrdreg s4  }
0xaa: {  	[dreg:$0x3] =	wrdreg s6  }
0xab: {  	[dreg:$0x4] =	wrdreg $0xC0  }
0xac: {  	_ =	task [dreg:s8], $0x5FFFF  }
0xad: {  	[dreg:$0x1] =	wrdreg $0xFFFFFFFF  }
0xae: {  	[dreg:$0x0] =	wrdreg $0x60  }
0xaf: {  	[dreg:$0x2] =	wrdreg s24  }
0xb0: {  	[dreg:$0x3] =	wrdreg s2  }
0xb1: {  	[dreg:$0x4] =	wrdreg s18  }
0xb2: {  	[dreg:$0x5] =	wrdreg $0x9  }
0xb3: {  	_ =	task.clear_ibuf [dreg:s8], $0x6FFFF;
	_ =	strace $0x90000046  }
0xb4: {  	s29 =	simm.s32 $0x9;
	_ =	strace $0x80000048  }
0xb5: {  	_ =	swait.ge [sflag:s29], $0x1  }
0xb6: {  	[sflag:s29] =	ssyncadd.s32 $0xFFFFFFFF  }
0xb7: {  	_ =	strace $0x90000048  }
0xb8: {  	_ =	sfence  }
0xb9: {  	s30 =	sld [smem:$0x0];
	_ =	sdelay $0x2  }
0xba: {  	s31 =	sshll.u32 s1, $0xD;
	s1 =	sshrl.u32 s1, $0x2  }
0xbb: {  	s3 =	sand.u32 $0x4000, s31;
	s1 =	sadd.s32 s1, s30  }
0xbc: {  	s0 =	sor.u32 s3, s0;
	s1 =	sshll.u32 s1, $0x11  }
0xbd: {  	s0 =	sor.u32 s1, s0  }
0xbe: {  	s0 =	sadd.s32 $0x8F2B, s0  }
0xbf: {  	[sflag:s0] =	ssyncadd.remote.s32 $0x1  }
0xc0: {  	_ =	sfence.sel $0xFFFF  }
0xc1: {  	[dreg:$0x0] =	wrdreg $0xFFFFFFFF;
	(pc) =	sbr.abs _section_cstart, $3  }
0xc2: {  	[dreg:$0x1] =	wrdreg $0xFFFFFFFF  }
0xc3: {  	_ =	task.clear_ibuf [dreg:s8], $0x2FFFF;
	_ =	strace $0x9FFFFFFF  }
0xc4: {  	(tm) =	ssettm $0x7FFFFFFF  }
0xc5: {  	_ =	shalt  }
tec
execute0_lowered:
.L_overlay_start_1:
0x0: {  	(tag) =	ssettag $0x1  }
0x1: {  	s0 =	rddreg [dreg:$0x0]  }
0x2: {  	s2 =	rddreg [dreg:$0x1]  }
0x3: {  	s1 =	rddreg [dreg:$0x2]  }
0x4: {  	s4 =	srdreg.scid;
	s9 =	stileid.u32  }
0x5: {  	s3 =	simm.s32 $0x0;
	s28 =	simm.s32 $0x4000;
	s29 =	simm.s32 $0x4800  }
0x6: {  	s10 =	simm.s32 $0x7000;
	s13 =	simm.s32 $0x8000;
	s31 =	simm.s32 $0x9000  }
0x7: {  	s30 =	simm.s32 $0x13000;
	s11 =	simm.s32 $0x5;
	s12 =	simm.s32 $0x2  }
0x8: {  	s14 =	simm.s32 $0x6;
	s15 =	simm.s32 $0x3;
	s16 =	simm.s32 $0x7  }
0x9: {  	s17 =	simm.s32 $0x4;
	s18 =	simm.s32 $0x8;
	s19 =	simm.s32 $0x0  }
0xa: {  	s4 =	sand.u32 $0x1, s4;
	s5 =	sshll.u32 s9, $0x1;
	[smem:$0x7FF] =	sst s3  }
0xb: {  	s9 =	sshll.u32 s9, $0xB;
	s5 =	sor.u32 s4, s5;
	s6 =	ssub.s32 $0x2, s4  }
0xc: {  	_ =	strace $0x80000047;
	s4 =	sshll.u32 s4, $0xA;
	[dreg:$0xb] =	wrdreg s19  }
0xd: {  	s7 =	sshll.u32 s5, $0x9;
	s8 =	sshrl.u32 s6, $0x1;
	s5 =	smul.u32 $0xC0000, s5  }
0xe: {  	s4 =	sor.u32 s4, s9;
	s9 =	simm.s32 $0x1;
	s0 =	sadd.s32 s7, s0  }
0xf: {  	s20 =	ssub.s32 s6, s8;
	s4 =	sshrl.u32 s4, $0x3;
	s6 =	sadd.s32 $0x200, s2  }
0x10: {  	s8 =	simm.s32 $0x5000;
	s7 =	simm.s32 $0x6800;
	s0 =	sadd.s32 $0x400, s0  }
0x11: {  	s21 =	sshrl.u32 s5, $0x3;
	s5 =	sadd.s32 $0x100, s2;
	s4 =	smul.u32 $0x300, s4  }
0x12: {  	s26 =	smax.u32 s20, $0x1;
	[dreg:$0x5] =	wrdreg s0;
	s0 =	sadd.s32 s1, s21  }
0x13: {  	s20 =	simm.s32 $0x2000;
	[dreg:$0xa] =	wrdreg s26;
	s22 =	sadd.s32 $0x15000, s0  }
0x14: {  	s21 =	simm.s32 $0x2800;
	s23 =	sadd.s32 $0x15C00, s0;
	[dreg:$0x6] =	wrdreg s22  }
0x15: {  	s26 =	simm.s32 $0x3800;
	s24 =	sadd.s32 $0x16800, s0;
	[dreg:$0x7] =	wrdreg s23  }
0x16: {  	s0 =	sadd.s32 $0x17400, s0;
	s25 =	sadd.s32 s4, s1;
	[dreg:$0x8] =	wrdreg s24  }
0x17: {  	v2 =	vlaneseq.u32;
	s1 =	simm.s32 $0x5800;
	s4 =	simm.s32 $0x6000;
	[dreg:$0x9] =	wrdreg s0  }
0x18: {  	vm0 =	vmmov $0xffff;
	v1 =	vshrl.u32 v2, $0x3;
	[dreg:$0x4] =	wrdreg s25;
	s25 =	simm.s32 $0x1000;
	s22 =	simm.s32 $0x1800  }
0x19: {  	v0 =	vand.u32 $0x7, v2;
	v2 =	vor.u32 $0x8, v2;
	v1 =	vmul.u32 $0x8, v1;
	s24 =	simm.s32 $0x3000;
	s23 =	simm.s32 $0x8800;
	s0 =	simm.s32 $0xD000  }
.LBB2_1:
0x1a: {  	s19 =	rddreg [dreg:$0x5]  }
0x1b: {  	[tilespmem:s3], [sflag:$0x9] =	stream.linear.gather [hbm4b:s19+s3], $0x1000, $0x38;
	[tilespmem:$0x19000] =	vst v63  }
0x1c: {  	s19 =	simm.s32 $0x9  }
0x1d: {  	_ =	swait.ge [sflag:s19], $0x1000  }
0x1e: {  	[sflag:s19] =	ssyncset.done $0x0  }
0x1f: {  	[sflag:s19] =	ssyncadd.s32 $0xFFFFF000  }
0x20: {  	v3 =	vld [tilespmem:$0x0];
	_ =	sdelay $0x4  }
0x21: {  	v4 =	vshrl.u32 v3, $0x3  }
0x22: {  	v4 =	vmul.u32 $0x30, v4  }
0x23: {  	v3 =	vand.u32 $0x7, v3  }
0x24: {  	v3 =	vor.u32 v3, v4  }
0x25: {  	v4 =	vperm.xlane v3, v0;
	_ =	sdelay $0x1  }
0x26: {  	v4 =	vadd.s32 v1, v4;
	_ =	sdelay $0x3  }
0x27: {  	v3 =	vperm.xlane v3, v2  }
0x28: {  	[tilespmem:s25], [sflag:$0x1] =	stream.indirect_vreg.gather [hbm4b:s2+s3], $0x80, v4, vm0, $0xb8;
	[tilespmem:$0x19000] =	vst v63  }
0x29: {  	v3 =	vadd.s32 v1, v3  }
0x2a: {  	[tilespmem:s22], [sflag:$0x1] =	stream.indirect_vreg.gather [hbm4b:s5+s3], $0x80, v4, vm0, $0xb8;
	[tilespmem:$0x19000] =	vst v63  }
0x2b: {  	_ = 	snop  }
0x2c: {  	[tilespmem:s20], [sflag:$0x1] =	stream.indirect_vreg.gather [hbm4b:s6+s3], $0x80, v4, vm0, $0xb8;
	[tilespmem:$0x19000] =	vst v63  }
0x2d: {  	_ = 	snop  }
0x2e: {  	[tilespmem:s21], [sflag:$0x1] =	stream.indirect_vreg.gather [hbm4b:s2+s3], $0x80, v3, vm0, $0xb8;
	[tilespmem:$0x19000] =	vst v63  }
0x2f: {  	_ = 	snop  }
0x30: {  	[tilespmem:s24], [sflag:$0x1] =	stream.indirect_vreg.gather [hbm4b:s5+s3], $0x80, v3, vm0, $0xb8;
	[tilespmem:$0x19000] =	vst v63  }
0x31: {  	_ = 	snop  }
0x32: {  	[tilespmem:s26], [sflag:$0x1] =	stream.indirect_vreg.gather [hbm4b:s6+s3], $0x80, v3, vm0, $0xb8;
	[tilespmem:$0x19000] =	vst v63  }
0x33: {  	v3 =	vld [tilespmem:$0x10];
	_ =	sdelay $0x4  }
0x34: {  	v57 =	vshrl.u32 v3, $0x3  }
0x35: {  	v4 =	vmul.u32 $0x30, v57  }
0x36: {  	v3 =	vand.u32 $0x7, v3  }
0x37: {  	v3 =	vor.u32 v3, v4  }
0x38: {  	v4 =	vperm.xlane v3, v0;
	_ =	sdelay $0x1  }
0x39: {  	v4 =	vadd.s32 v1, v4;
	_ =	sdelay $0x3  }
0x3a: {  	v3 =	vperm.xlane v3, v2  }
0x3b: {  	[tilespmem:s28], [sflag:$0x1] =	stream.indirect_vreg.gather [hbm4b:s2+s3], $0x80, v4, vm0, $0xb8;
	[tilespmem:$0x19000] =	vst v63  }
0x3c: {  	v3 =	vadd.s32 v1, v3  }
0x3d: {  	[tilespmem:s29], [sflag:$0x1] =	stream.indirect_vreg.gather [hbm4b:s5+s3], $0x80, v4, vm0, $0xb8;
	[tilespmem:$0x19000] =	vst v63  }
0x3e: {  	_ = 	snop  }
0x3f: {  	[tilespmem:s8], [sflag:$0x1] =	stream.indirect_vreg.gather [hbm4b:s6+s3], $0x80, v4, vm0, $0xb8;
	[tilespmem:$0x19000] =	vst v63  }
0x40: {  	_ = 	snop  }
0x41: {  	[tilespmem:s1], [sflag:$0x1] =	stream.indirect_vreg.gather [hbm4b:s2+s3], $0x80, v3, vm0, $0xb8;
	[tilespmem:$0x19000] =	vst v63  }
0x42: {  	_ = 	snop  }
0x43: {  	[tilespmem:s4], [sflag:$0x1] =	stream.indirect_vreg.gather [hbm4b:s5+s3], $0x80, v3, vm0, $0xb8;
	[tilespmem:$0x19000] =	vst v63  }
0x44: {  	_ = 	snop  }
0x45: {  	[tilespmem:s7], [sflag:$0x1] =	stream.indirect_vreg.gather [hbm4b:s6+s3], $0x80, v3, vm0, $0xb8;
	[tilespmem:$0x19000] =	vst v63  }
0x46: {  	v3 =	vld [tilespmem:$0x80];
	_ =	sdelay $0x4  }
0x47: {  	v58 =	vshrl.u32 v3, $0x3  }
0x48: {  	v4 =	vmul.u32 $0x30, v58  }
0x49: {  	v3 =	vand.u32 $0x7, v3  }
0x4a: {  	v3 =	vor.u32 v3, v4  }
0x4b: {  	v4 =	vperm.xlane v3, v0;
	_ =	sdelay $0x1  }
0x4c: {  	v4 =	vadd.s32 v1, v4;
	_ =	sdelay $0x3  }
0x4d: {  	v3 =	vperm.xlane v3, v2  }
0x4e: {  	[tilespmem:s10], [sflag:$0x2] =	stream.indirect_vreg.gather [hbm4b:s2+s3], $0x80, v4, vm0, $0xb8;
	[tilespmem:$0x19000] =	vst v63  }
0x4f: {  	s26 =	simm.s32 $0x7800;
	v3 =	vadd.s32 v1, v3  }
0x50: {  	[tilespmem:s26], [sflag:$0x2] =	stream.indirect_vreg.gather [hbm4b:s5+s3], $0x80, v4, vm0, $0xb8;
	[tilespmem:$0x19000] =	vst v63  }
0x51: {  	_ = 	snop  }
0x52: {  	[tilespmem:s13], [sflag:$0x2] =	stream.indirect_vreg.gather [hbm4b:s6+s3], $0x80, v4, vm0, $0xb8;
	[tilespmem:$0x19000] =	vst v63  }
0x53: {  	_ = 	snop  }
0x54: {  	[tilespmem:s23], [sflag:$0x2] =	stream.indirect_vreg.gather [hbm4b:s2+s3], $0x80, v3, vm0, $0xb8;
	[tilespmem:$0x19000] =	vst v63  }
0x55: {  	_ = 	snop  }
0x56: {  	[tilespmem:s31], [sflag:$0x2] =	stream.indirect_vreg.gather [hbm4b:s5+s3], $0x80, v3, vm0, $0xb8;
	[tilespmem:$0x19000] =	vst v63  }
0x57: {  	s4 =	simm.s32 $0x9800  }
0x58: {  	[tilespmem:s4], [sflag:$0x2] =	stream.indirect_vreg.gather [hbm4b:s6+s3], $0x80, v3, vm0, $0xb8;
	[tilespmem:$0x19000] =	vst v63  }
0x59: {  	v3 =	vld [tilespmem:$0x90];
	_ =	sdelay $0x4  }
0x5a: {  	v59 =	vshrl.u32 v3, $0x3  }
0x5b: {  	v4 =	vmul.u32 $0x30, v59  }
0x5c: {  	v3 =	vand.u32 $0x7, v3  }
0x5d: {  	v3 =	vor.u32 v3, v4  }
0x5e: {  	v4 =	vperm.xlane v3, v0;
	_ =	sdelay $0x1  }
0x5f: {  	v4 =	vadd.s32 v1, v4;
	_ =	sdelay $0x3  }
0x60: {  	s7 =	simm.s32 $0xA000;
	v3 =	vperm.xlane v3, v2  }
0x61: {  	[tilespmem:s7], [sflag:$0x2] =	stream.indirect_vreg.gather [hbm4b:s2+s3], $0x80, v4, vm0, $0xb8;
	[tilespmem:$0x19000] =	vst v63  }
0x62: {  	s8 =	simm.s32 $0xA800;
	v3 =	vadd.s32 v1, v3  }
0x63: {  	[tilespmem:s8], [sflag:$0x2] =	stream.indirect_vreg.gather [hbm4b:s5+s3], $0x80, v4, vm0, $0xb8;
	[tilespmem:$0x19000] =	vst v63  }
0x64: {  	s10 =	simm.s32 $0xB000  }
0x65: {  	[tilespmem:s10], [sflag:$0x2] =	stream.indirect_vreg.gather [hbm4b:s6+s3], $0x80, v4, vm0, $0xb8;
	[tilespmem:$0x19000] =	vst v63  }
0x66: {  	s13 =	simm.s32 $0xB800  }
0x67: {  	[tilespmem:s13], [sflag:$0x2] =	stream.indirect_vreg.gather [hbm4b:s2+s3], $0x80, v3, vm0, $0xb8;
	[tilespmem:$0x19000] =	vst v63  }
0x68: {  	s19 =	simm.s32 $0xC000  }
0x69: {  	[tilespmem:s19], [sflag:$0x2] =	stream.indirect_vreg.gather [hbm4b:s5+s3], $0x80, v3, vm0, $0xb8;
	[tilespmem:$0x19000] =	vst v63  }
0x6a: {  	s20 =	simm.s32 $0xC800  }
0x6b: {  	[tilespmem:s20], [sflag:$0x2] =	stream.indirect_vreg.gather [hbm4b:s6+s3], $0x80, v3, vm0, $0xb8;
	[tilespmem:$0x19000] =	vst v63  }
0x6c: {  	v3 =	vld [tilespmem:$0x100];
	_ =	sdelay $0x4  }
0x6d: {  	v60 =	vshrl.u32 v3, $0x3  }
0x6e: {  	v4 =	vmul.u32 $0x30, v60  }
0x6f: {  	v3 =	vand.u32 $0x7, v3  }
0x70: {  	v3 =	vor.u32 v3, v4  }
0x71: {  	v4 =	vperm.xlane v3, v0;
	_ =	sdelay $0x1  }
0x72: {  	v4 =	vadd.s32 v1, v4;
	_ =	sdelay $0x3  }
0x73: {  	v3 =	vperm.xlane v3, v2  }
0x74: {  	[tilespmem:s0], [sflag:$0x3] =	stream.indirect_vreg.gather [hbm4b:s2+s3], $0x80, v4, vm0, $0xb8;
	[tilespmem:$0x19000] =	vst v63  }
0x75: {  	s21 =	simm.s32 $0xD800;
	v3 =	vadd.s32 v1, v3  }
0x76: {  	[tilespmem:s21], [sflag:$0x3] =	stream.indirect_vreg.gather [hbm4b:s5+s3], $0x80, v4, vm0, $0xb8;
	[tilespmem:$0x19000] =	vst v63  }
0x77: {  	s23 =	simm.s32 $0xE000  }
0x78: {  	[tilespmem:s23], [sflag:$0x3] =	stream.indirect_vreg.gather [hbm4b:s6+s3], $0x80, v4, vm0, $0xb8;
	[tilespmem:$0x19000] =	vst v63  }
0x79: {  	s24 =	simm.s32 $0xE800  }
0x7a: {  	[tilespmem:s24], [sflag:$0x3] =	stream.indirect_vreg.gather [hbm4b:s2+s3], $0x80, v3, vm0, $0xb8;
	[tilespmem:$0x19000] =	vst v63  }
0x7b: {  	s25 =	simm.s32 $0xF000  }
0x7c: {  	[tilespmem:s25], [sflag:$0x3] =	stream.indirect_vreg.gather [hbm4b:s5+s3], $0x80, v3, vm0, $0xb8;
	[tilespmem:$0x19000] =	vst v63  }
0x7d: {  	s26 =	simm.s32 $0xF800  }
0x7e: {  	[tilespmem:s26], [sflag:$0x3] =	stream.indirect_vreg.gather [hbm4b:s6+s3], $0x80, v3, vm0, $0xb8;
	[tilespmem:$0x19000] =	vst v63  }
0x7f: {  	v3 =	vld [tilespmem:$0x110];
	_ =	sdelay $0x4  }
0x80: {  	v61 =	vshrl.u32 v3, $0x3  }
0x81: {  	v4 =	vmul.u32 $0x30, v61  }
0x82: {  	v3 =	vand.u32 $0x7, v3  }
0x83: {  	v3 =	vor.u32 v3, v4  }
0x84: {  	v4 =	vperm.xlane v3, v0;
	_ =	sdelay $0x1  }
0x85: {  	v4 =	vadd.s32 v1, v4;
	_ =	sdelay $0x3  }
0x86: {  	s1 =	simm.s32 $0x10000;
	v3 =	vperm.xlane v3, v2  }
0x87: {  	[tilespmem:s1], [sflag:$0x3] =	stream.indirect_vreg.gather [hbm4b:s2+s3], $0x80, v4, vm0, $0xb8;
	[tilespmem:$0x19000] =	vst v63  }
0x88: {  	s4 =	simm.s32 $0x10800;
	v3 =	vadd.s32 v1, v3  }
0x89: {  	[tilespmem:s4], [sflag:$0x3] =	stream.indirect_vreg.gather [hbm4b:s5+s3], $0x80, v4, vm0, $0xb8;
	[tilespmem:$0x19000] =	vst v63  }
0x8a: {  	s7 =	simm.s32 $0x11000  }
0x8b: {  	[tilespmem:s7], [sflag:$0x3] =	stream.indirect_vreg.gather [hbm4b:s6+s3], $0x80, v4, vm0, $0xb8;
	[tilespmem:$0x19000] =	vst v63  }
0x8c: {  	s8 =	simm.s32 $0x11800  }
0x8d: {  	[tilespmem:s8], [sflag:$0x3] =	stream.indirect_vreg.gather [hbm4b:s2+s3], $0x80, v3, vm0, $0xb8;
	[tilespmem:$0x19000] =	vst v63  }
0x8e: {  	s10 =	simm.s32 $0x12000  }
0x8f: {  	[tilespmem:s10], [sflag:$0x3] =	stream.indirect_vreg.gather [hbm4b:s5+s3], $0x80, v3, vm0, $0xb8;
	[tilespmem:$0x19000] =	vst v63  }
0x90: {  	s13 =	simm.s32 $0x12800  }
0x91: {  	[tilespmem:s13], [sflag:$0x3] =	stream.indirect_vreg.gather [hbm4b:s6+s3], $0x80, v3, vm0, $0xb8;
	[tilespmem:$0x19000] =	vst v63  }
0x92: {  	v3 =	vld [tilespmem:$0x180];
	_ =	sdelay $0x4  }
0x93: {  	v62 =	vshrl.u32 v3, $0x3  }
0x94: {  	v4 =	vmul.u32 $0x30, v62  }
0x95: {  	v3 =	vand.u32 $0x7, v3  }
0x96: {  	v3 =	vor.u32 v3, v4  }
0x97: {  	v4 =	vperm.xlane v3, v0;
	_ =	sdelay $0x1  }
0x98: {  	v4 =	vadd.s32 v1, v4;
	_ =	sdelay $0x3  }
0x99: {  	v3 =	vperm.xlane v3, v2  }
0x9a: {  	[tilespmem:s30], [sflag:$0x4] =	stream.indirect_vreg.gather [hbm4b:s2+s3], $0x80, v4, vm0, $0xb8;
	[tilespmem:$0x19000] =	vst v63  }
0x9b: {  	s19 =	simm.s32 $0x13800;
	v3 =	vadd.s32 v1, v3  }
0x9c: {  	[tilespmem:s19], [sflag:$0x4] =	stream.indirect_vreg.gather [hbm4b:s5+s3], $0x80, v4, vm0, $0xb8;
	[tilespmem:$0x19000] =	vst v63  }
0x9d: {  	s20 =	simm.s32 $0x14000  }
0x9e: {  	[tilespmem:s20], [sflag:$0x4] =	stream.indirect_vreg.gather [hbm4b:s6+s3], $0x80, v4, vm0, $0xb8;
	[tilespmem:$0x19000] =	vst v63  }
0x9f: {  	s21 =	simm.s32 $0x14800  }
0xa0: {  	[tilespmem:s21], [sflag:$0x4] =	stream.indirect_vreg.gather [hbm4b:s2+s3], $0x80, v3, vm0, $0xb8;
	[tilespmem:$0x19000] =	vst v63  }
0xa1: {  	s23 =	simm.s32 $0x15000  }
0xa2: {  	[tilespmem:s23], [sflag:$0x4] =	stream.indirect_vreg.gather [hbm4b:s5+s3], $0x80, v3, vm0, $0xb8;
	[tilespmem:$0x19000] =	vst v63  }
0xa3: {  	s24 =	simm.s32 $0x15800  }
0xa4: {  	[tilespmem:s24], [sflag:$0x4] =	stream.indirect_vreg.gather [hbm4b:s6+s3], $0x80, v3, vm0, $0xb8;
	[tilespmem:$0x19000] =	vst v63  }
0xa5: {  	v3 =	vld [tilespmem:$0x190];
	_ =	sdelay $0x4  }
0xa6: {  	v63 =	vshrl.u32 v3, $0x3  }
0xa7: {  	v4 =	vmul.u32 $0x30, v63  }
0xa8: {  	v3 =	vand.u32 $0x7, v3  }
0xa9: {  	v3 =	vor.u32 v3, v4  }
0xaa: {  	v4 =	vperm.xlane v3, v0;
	_ =	sdelay $0x1  }
0xab: {  	v4 =	vadd.s32 v1, v4;
	_ =	sdelay $0x3  }
0xac: {  	s25 =	simm.s32 $0x16000;
	v3 =	vperm.xlane v3, v2  }
0xad: {  	[tilespmem:s25], [sflag:$0x4] =	stream.indirect_vreg.gather [hbm4b:s2+s3], $0x80, v4, vm0, $0xb8;
	[tilespmem:$0x19000] =	vst v63  }
0xae: {  	s28 =	simm.s32 $0x8800;
	s26 =	simm.s32 $0x16800;
	v3 =	vadd.s32 v1, v3  }
0xaf: {  	[tilespmem:s26], [sflag:$0x4] =	stream.indirect_vreg.gather [hbm4b:s5+s3], $0x80, v4, vm0, $0xb8;
	[tilespmem:$0x19000] =	vst v63  }
0xb0: {  	s29 =	simm.s32 $0x18800;
	s31 =	simm.s32 $0x4800;
	s30 =	simm.s32 $0x17000  }
0xb1: {  	[tilespmem:s30], [sflag:$0x4] =	stream.indirect_vreg.gather [hbm4b:s6+s3], $0x80, v4, vm0, $0xb8;
	[tilespmem:$0x19000] =	vst v63  }
0xb2: {  	s4 =	simm.s32 $0x17800;
	s7 =	simm.s32 $0x6800;
	s8 =	simm.s32 $0x7800  }
0xb3: {  	[tilespmem:s4], [sflag:$0x4] =	stream.indirect_vreg.gather [hbm4b:s2+s3], $0x80, v3, vm0, $0xb8;
	[tilespmem:$0x19000] =	vst v63  }
0xb4: {  	s13 =	simm.s32 $0x8000;
	s19 =	simm.s32 $0x390;
	s23 =	simm.s32 $0x18000  }
0xb5: {  	[tilespmem:s23], [sflag:$0x4] =	stream.indirect_vreg.gather [hbm4b:s5+s3], $0x80, v3, vm0, $0xb8;
	[tilespmem:$0x19000] =	vst v63  }
0xb6: {  	s20 =	simm.s32 $0x0;
	s24 =	simm.s32 $0x9000;
	s26 =	simm.s32 $0x2800  }
0xb7: {  	[tilespmem:s29], [sflag:$0x4] =	stream.indirect_vreg.gather [hbm4b:s6+s3], $0x80, v3, vm0, $0xb8;
	[tilespmem:$0x19000] =	vst v63  }
.LBB2_2:
0xb8: {  	_ =	swait.ge [sflag:s9], $0x6000  }
0xb9: {  	s21 =	rddreg [dreg:$0x4];
	[sflag:s9] =	ssyncset.done $0x0  }
0xba: {  	s10 =	simm.s32 $0x1000;
	[sflag:s9] =	ssyncadd.s32 $0xFFFFA000;
	s21 =	sadd.s32 s20, s21  }
0xbb: {  	[hbm4b:s21+s3] =	stream.linear.scatter [tilespmem:s10], [sflag:$0x5], $0x6000, $0x38;
	[tilespmem:$0x19000] =	vst v63  }
0xbc: {  	_ =	swait.ge [sflag:s11], $0x6000  }
0xbd: {  	[sflag:s11] =	ssyncset.done $0x0  }
0xbe: {  	[sflag:s11] =	ssyncadd.s32 $0xFFFFA000  }
0xbf: {  	v3 =	vld [tilespmem:s19+$0xFFFFFE70];
	_ =	sdelay $0x4  }
0xc0: {  	v4 =	vshrl.u32 v3, $0x3  }
0xc1: {  	v4 =	vmul.u32 $0x30, v4  }
0xc2: {  	v3 =	vand.u32 $0x7, v3  }
0xc3: {  	v3 =	vor.u32 v3, v4  }
0xc4: {  	v4 =	vperm.xlane v3, v0;
	_ =	sdelay $0x1  }
0xc5: {  	v4 =	vadd.s32 v1, v4;
	_ =	sdelay $0x3  }
0xc6: {  	v3 =	vperm.xlane v3, v2  }
0xc7: {  	[tilespmem:s10], [sflag:$0x1] =	stream.indirect_vreg.gather [hbm4b:s2+s3], $0x80, v4, vm0, $0xb8;
	[tilespmem:$0x19000] =	vst v63  }
0xc8: {  	v3 =	vadd.s32 v1, v3  }
0xc9: {  	[tilespmem:s22], [sflag:$0x1] =	stream.indirect_vreg.gather [hbm4b:s5+s3], $0x80, v4, vm0, $0xb8;
	[tilespmem:$0x19000] =	vst v63  }
0xca: {  	s0 =	simm.s32 $0x2000  }
0xcb: {  	[tilespmem:s0], [sflag:$0x1] =	stream.indirect_vreg.gather [hbm4b:s6+s3], $0x80, v4, vm0, $0xb8;
	[tilespmem:$0x19000] =	vst v63  }
0xcc: {  	_ = 	snop  }
0xcd: {  	[tilespmem:s26], [sflag:$0x1] =	stream.indirect_vreg.gather [hbm4b:s2+s3], $0x80, v3, vm0, $0xb8;
	[tilespmem:$0x19000] =	vst v63  }
0xce: {  	s1 =	simm.s32 $0x3000  }
0xcf: {  	[tilespmem:s1], [sflag:$0x1] =	stream.indirect_vreg.gather [hbm4b:s5+s3], $0x80, v3, vm0, $0xb8;
	[tilespmem:$0x19000] =	vst v63  }
0xd0: {  	s10 =	simm.s32 $0x3800  }
0xd1: {  	[tilespmem:s10], [sflag:$0x1] =	stream.indirect_vreg.gather [hbm4b:s6+s3], $0x80, v3, vm0, $0xb8;
	[tilespmem:$0x19000] =	vst v63  }
0xd2: {  	v3 =	vld [tilespmem:s19+$0xFFFFFE80];
	_ =	sdelay $0x4  }
0xd3: {  	v57 =	vshrl.u32 v3, $0x3  }
0xd4: {  	v4 =	vmul.u32 $0x30, v57  }
0xd5: {  	v3 =	vand.u32 $0x7, v3  }
0xd6: {  	v3 =	vor.u32 v3, v4  }
0xd7: {  	v4 =	vperm.xlane v3, v0;
	_ =	sdelay $0x1  }
0xd8: {  	v4 =	vadd.s32 v1, v4;
	_ =	sdelay $0x3  }
0xd9: {  	s22 =	simm.s32 $0x4000;
	v3 =	vperm.xlane v3, v2  }
0xda: {  	[tilespmem:s22], [sflag:$0x1] =	stream.indirect_vreg.gather [hbm4b:s2+s3], $0x80, v4, vm0, $0xb8;
	[tilespmem:$0x19000] =	vst v63  }
0xdb: {  	v3 =	vadd.s32 v1, v3  }
0xdc: {  	[tilespmem:s31], [sflag:$0x1] =	stream.indirect_vreg.gather [hbm4b:s5+s3], $0x80, v4, vm0, $0xb8;
	[tilespmem:$0x19000] =	vst v63  }
0xdd: {  	s1 =	simm.s32 $0x5000  }
0xde: {  	[tilespmem:s1], [sflag:$0x1] =	stream.indirect_vreg.gather [hbm4b:s6+s3], $0x80, v4, vm0, $0xb8;
	[tilespmem:$0x19000] =	vst v63  }
0xdf: {  	s10 =	simm.s32 $0x5800  }
0xe0: {  	[tilespmem:s10], [sflag:$0x1] =	stream.indirect_vreg.gather [hbm4b:s2+s3], $0x80, v3, vm0, $0xb8;
	[tilespmem:$0x19000] =	vst v63  }
0xe1: {  	s22 =	simm.s32 $0x6000  }
0xe2: {  	[tilespmem:s22], [sflag:$0x1] =	stream.indirect_vreg.gather [hbm4b:s5+s3], $0x80, v3, vm0, $0xb8;
	[tilespmem:$0x19000] =	vst v63  }
0xe3: {  	_ = 	snop  }
0xe4: {  	[tilespmem:s7], [sflag:$0x1] =	stream.indirect_vreg.gather [hbm4b:s6+s3], $0x80, v3, vm0, $0xb8;
	[tilespmem:$0x19000] =	vst v63  }
0xe5: {  	_ =	swait.ge [sflag:s12], $0x6000  }
0xe6: {  	[sflag:s12] =	ssyncset.done $0x0  }
0xe7: {  	s0 =	sadd.s32 $0xC00, s21;
	s1 =	simm.s32 $0x7000;
	[sflag:s12] =	ssyncadd.s32 $0xFFFFA000  }
0xe8: {  	[hbm4b:s0+s3] =	stream.linear.scatter [tilespmem:s1], [sflag:$0x6], $0x6000, $0x38;
	[tilespmem:$0x19000] =	vst v63  }
0xe9: {  	_ =	swait.ge [sflag:s14], $0x6000  }
0xea: {  	[sflag:s14] =	ssyncset.done $0x0  }
0xeb: {  	[sflag:s14] =	ssyncadd.s32 $0xFFFFA000  }
0xec: {  	v3 =	vld [tilespmem:s19+$0xFFFFFEF0];
	_ =	sdelay $0x4  }
0xed: {  	v58 =	vshrl.u32 v3, $0x3  }
0xee: {  	v4 =	vmul.u32 $0x30, v58  }
0xef: {  	v3 =	vand.u32 $0x7, v3  }
0xf0: {  	v3 =	vor.u32 v3, v4  }
0xf1: {  	v4 =	vperm.xlane v3, v0;
	_ =	sdelay $0x1  }
0xf2: {  	v4 =	vadd.s32 v1, v4;
	_ =	sdelay $0x3  }
0xf3: {  	v3 =	vperm.xlane v3, v2  }
0xf4: {  	[tilespmem:s1], [sflag:$0x2] =	stream.indirect_vreg.gather [hbm4b:s2+s3], $0x80, v4, vm0, $0xb8;
	[tilespmem:$0x19000] =	vst v63  }
0xf5: {  	v3 =	vadd.s32 v1, v3  }
0xf6: {  	[tilespmem:s8], [sflag:$0x2] =	stream.indirect_vreg.gather [hbm4b:s5+s3], $0x80, v4, vm0, $0xb8;
	[tilespmem:$0x19000] =	vst v63  }
0xf7: {  	_ = 	snop  }
0xf8: {  	[tilespmem:s13], [sflag:$0x2] =	stream.indirect_vreg.gather [hbm4b:s6+s3], $0x80, v4, vm0, $0xb8;
	[tilespmem:$0x19000] =	vst v63  }
0xf9: {  	_ = 	snop  }
0xfa: {  	[tilespmem:s28], [sflag:$0x2] =	stream.indirect_vreg.gather [hbm4b:s2+s3], $0x80, v3, vm0, $0xb8;
	[tilespmem:$0x19000] =	vst v63  }
0xfb: {  	_ = 	snop  }
0xfc: {  	[tilespmem:s24], [sflag:$0x2] =	stream.indirect_vreg.gather [hbm4b:s5+s3], $0x80, v3, vm0, $0xb8;
	[tilespmem:$0x19000] =	vst v63  }
0xfd: {  	s22 =	simm.s32 $0x9800  }
0xfe: {  	[tilespmem:s22], [sflag:$0x2] =	stream.indirect_vreg.gather [hbm4b:s6+s3], $0x80, v3, vm0, $0xb8;
	[tilespmem:$0x19000] =	vst v63  }
0xff: {  	v3 =	vld [tilespmem:s19+$0xFFFFFF00];
	_ =	sdelay $0x4  }
0x100: {  	v59 =	vshrl.u32 v3, $0x3  }
0x101: {  	v4 =	vmul.u32 $0x30, v59  }
0x102: {  	v3 =	vand.u32 $0x7, v3  }
0x103: {  	v3 =	vor.u32 v3, v4  }
0x104: {  	v4 =	vperm.xlane v3, v0;
	_ =	sdelay $0x1  }
0x105: {  	v4 =	vadd.s32 v1, v4;
	_ =	sdelay $0x3  }
0x106: {  	s1 =	simm.s32 $0xA000;
	v3 =	vperm.xlane v3, v2  }
0x107: {  	[tilespmem:s1], [sflag:$0x2] =	stream.indirect_vreg.gather [hbm4b:s2+s3], $0x80, v4, vm0, $0xb8;
	[tilespmem:$0x19000] =	vst v63  }
0x108: {  	s22 =	simm.s32 $0xA800;
	v3 =	vadd.s32 v1, v3  }
0x109: {  	[tilespmem:s22], [sflag:$0x2] =	stream.indirect_vreg.gather [hbm4b:s5+s3], $0x80, v4, vm0, $0xb8;
	[tilespmem:$0x19000] =	vst v63  }
0x10a: {  	s1 =	simm.s32 $0xB000  }
0x10b: {  	[tilespmem:s1], [sflag:$0x2] =	stream.indirect_vreg.gather [hbm4b:s6+s3], $0x80, v4, vm0, $0xb8;
	[tilespmem:$0x19000] =	vst v63  }
0x10c: {  	s22 =	simm.s32 $0xB800  }
0x10d: {  	[tilespmem:s22], [sflag:$0x2] =	stream.indirect_vreg.gather [hbm4b:s2+s3], $0x80, v3, vm0, $0xb8;
	[tilespmem:$0x19000] =	vst v63  }
0x10e: {  	s1 =	simm.s32 $0xC000  }
0x10f: {  	[tilespmem:s1], [sflag:$0x2] =	stream.indirect_vreg.gather [hbm4b:s5+s3], $0x80, v3, vm0, $0xb8;
	[tilespmem:$0x19000] =	vst v63  }
0x110: {  	s22 =	simm.s32 $0xC800  }
0x111: {  	[tilespmem:s22], [sflag:$0x2] =	stream.indirect_vreg.gather [hbm4b:s6+s3], $0x80, v3, vm0, $0xb8;
	[tilespmem:$0x19000] =	vst v63  }
0x112: {  	_ =	swait.ge [sflag:s15], $0x6000  }
0x113: {  	[sflag:s15] =	ssyncset.done $0x0  }
0x114: {  	s30 =	simm.s32 $0xD000;
	s1 =	sadd.s32 $0x1800, s21;
	[sflag:s15] =	ssyncadd.s32 $0xFFFFA000  }
0x115: {  	[hbm4b:s1+s3] =	stream.linear.scatter [tilespmem:s30], [sflag:$0x7], $0x6000, $0x38;
	[tilespmem:$0x19000] =	vst v63  }
0x116: {  	_ =	swait.ge [sflag:s16], $0x6000  }
0x117: {  	[sflag:s16] =	ssyncset.done $0x0  }
0x118: {  	[sflag:s16] =	ssyncadd.s32 $0xFFFFA000  }
0x119: {  	v3 =	vld [tilespmem:s19+$0xFFFFFF70];
	_ =	sdelay $0x4  }
0x11a: {  	v60 =	vshrl.u32 v3, $0x3  }
0x11b: {  	v4 =	vmul.u32 $0x30, v60  }
0x11c: {  	v3 =	vand.u32 $0x7, v3  }
0x11d: {  	v3 =	vor.u32 v3, v4  }
0x11e: {  	v4 =	vperm.xlane v3, v0;
	_ =	sdelay $0x1  }
0x11f: {  	v4 =	vadd.s32 v1, v4;
	_ =	sdelay $0x3  }
0x120: {  	v3 =	vperm.xlane v3, v2  }
0x121: {  	[tilespmem:s30], [sflag:$0x3] =	stream.indirect_vreg.gather [hbm4b:s2+s3], $0x80, v4, vm0, $0xb8;
	[tilespmem:$0x19000] =	vst v63  }
0x122: {  	s1 =	simm.s32 $0xD800;
	v3 =	vadd.s32 v1, v3  }
0x123: {  	[tilespmem:s1], [sflag:$0x3] =	stream.indirect_vreg.gather [hbm4b:s5+s3], $0x80, v4, vm0, $0xb8;
	[tilespmem:$0x19000] =	vst v63  }
0x124: {  	s1 =	simm.s32 $0xE000  }
0x125: {  	[tilespmem:s1], [sflag:$0x3] =	stream.indirect_vreg.gather [hbm4b:s6+s3], $0x80, v4, vm0, $0xb8;
	[tilespmem:$0x19000] =	vst v63  }
0x126: {  	s1 =	simm.s32 $0xE800  }
0x127: {  	[tilespmem:s1], [sflag:$0x3] =	stream.indirect_vreg.gather [hbm4b:s2+s3], $0x80, v3, vm0, $0xb8;
	[tilespmem:$0x19000] =	vst v63  }
0x128: {  	s1 =	simm.s32 $0xF000  }
0x129: {  	[tilespmem:s1], [sflag:$0x3] =	stream.indirect_vreg.gather [hbm4b:s5+s3], $0x80, v3, vm0, $0xb8;
	[tilespmem:$0x19000] =	vst v63  }
0x12a: {  	s1 =	simm.s32 $0xF800  }
0x12b: {  	[tilespmem:s1], [sflag:$0x3] =	stream.indirect_vreg.gather [hbm4b:s6+s3], $0x80, v3, vm0, $0xb8;
	[tilespmem:$0x19000] =	vst v63  }
0x12c: {  	v3 =	vld [tilespmem:s19+$0xFFFFFF80];
	_ =	sdelay $0x4  }
0x12d: {  	v61 =	vshrl.u32 v3, $0x3  }
0x12e: {  	v4 =	vmul.u32 $0x30, v61  }
0x12f: {  	v3 =	vand.u32 $0x7, v3  }
0x130: {  	v3 =	vor.u32 v3, v4  }
0x131: {  	v4 =	vperm.xlane v3, v0;
	_ =	sdelay $0x1  }
0x132: {  	v4 =	vadd.s32 v1, v4;
	_ =	sdelay $0x3  }
0x133: {  	s1 =	simm.s32 $0x10000;
	v3 =	vperm.xlane v3, v2  }
0x134: {  	[tilespmem:s1], [sflag:$0x3] =	stream.indirect_vreg.gather [hbm4b:s2+s3], $0x80, v4, vm0, $0xb8;
	[tilespmem:$0x19000] =	vst v63  }
0x135: {  	v3 =	vadd.s32 v1, v3;
	s1 =	simm.s32 $0x10800  }
0x136: {  	[tilespmem:s1], [sflag:$0x3] =	stream.indirect_vreg.gather [hbm4b:s5+s3], $0x80, v4, vm0, $0xb8;
	[tilespmem:$0x19000] =	vst v63  }
0x137: {  	s1 =	simm.s32 $0x11000  }
0x138: {  	[tilespmem:s1], [sflag:$0x3] =	stream.indirect_vreg.gather [hbm4b:s6+s3], $0x80, v4, vm0, $0xb8;
	[tilespmem:$0x19000] =	vst v63  }
0x139: {  	s1 =	simm.s32 $0x11800  }
0x13a: {  	[tilespmem:s1], [sflag:$0x3] =	stream.indirect_vreg.gather [hbm4b:s2+s3], $0x80, v3, vm0, $0xb8;
	[tilespmem:$0x19000] =	vst v63  }
0x13b: {  	s1 =	simm.s32 $0x12000  }
0x13c: {  	[tilespmem:s1], [sflag:$0x3] =	stream.indirect_vreg.gather [hbm4b:s5+s3], $0x80, v3, vm0, $0xb8;
	[tilespmem:$0x19000] =	vst v63  }
0x13d: {  	s1 =	simm.s32 $0x12800  }
0x13e: {  	[tilespmem:s1], [sflag:$0x3] =	stream.indirect_vreg.gather [hbm4b:s6+s3], $0x80, v3, vm0, $0xb8;
	[tilespmem:$0x19000] =	vst v63  }
0x13f: {  	_ =	swait.ge [sflag:s17], $0x6000  }
0x140: {  	[sflag:s17] =	ssyncset.done $0x0  }
0x141: {  	s21 =	sadd.s32 $0x2400, s21;
	s1 =	simm.s32 $0x13000;
	[sflag:s17] =	ssyncadd.s32 $0xFFFFA000  }
0x142: {  	[hbm4b:s21+s3] =	stream.linear.scatter [tilespmem:s1], [sflag:$0x8], $0x6000, $0x38;
	[tilespmem:$0x19000] =	vst v63  }
0x143: {  	_ =	swait.ge [sflag:s18], $0x6000  }
0x144: {  	[sflag:s18] =	ssyncset.done $0x0  }
0x145: {  	[sflag:s18] =	ssyncadd.s32 $0xFFFFA000  }
0x146: {  	v3 =	vld [tilespmem:s19+$0xFFFFFFF0];
	_ =	sdelay $0x4  }
0x147: {  	v62 =	vshrl.u32 v3, $0x3  }
0x148: {  	v4 =	vmul.u32 $0x30, v62  }
0x149: {  	v3 =	vand.u32 $0x7, v3  }
0x14a: {  	v3 =	vor.u32 v3, v4  }
0x14b: {  	v4 =	vperm.xlane v3, v0;
	_ =	sdelay $0x1  }
0x14c: {  	v4 =	vadd.s32 v1, v4;
	_ =	sdelay $0x3  }
0x14d: {  	v3 =	vperm.xlane v3, v2  }
0x14e: {  	[tilespmem:s1], [sflag:$0x4] =	stream.indirect_vreg.gather [hbm4b:s2+s3], $0x80, v4, vm0, $0xb8;
	[tilespmem:$0x19000] =	vst v63  }
0x14f: {  	s21 =	simm.s32 $0x13800;
	v3 =	vadd.s32 v1, v3  }
0x150: {  	[tilespmem:s21], [sflag:$0x4] =	stream.indirect_vreg.gather [hbm4b:s5+s3], $0x80, v4, vm0, $0xb8;
	[tilespmem:$0x19000] =	vst v63  }
0x151: {  	s21 =	simm.s32 $0x14000  }
0x152: {  	[tilespmem:s21], [sflag:$0x4] =	stream.indirect_vreg.gather [hbm4b:s6+s3], $0x80, v4, vm0, $0xb8;
	[tilespmem:$0x19000] =	vst v63  }
0x153: {  	s21 =	simm.s32 $0x14800  }
0x154: {  	[tilespmem:s21], [sflag:$0x4] =	stream.indirect_vreg.gather [hbm4b:s2+s3], $0x80, v3, vm0, $0xb8;
	[tilespmem:$0x19000] =	vst v63  }
0x155: {  	s21 =	simm.s32 $0x15000  }
0x156: {  	[tilespmem:s21], [sflag:$0x4] =	stream.indirect_vreg.gather [hbm4b:s5+s3], $0x80, v3, vm0, $0xb8;
	[tilespmem:$0x19000] =	vst v63  }
0x157: {  	s21 =	simm.s32 $0x15800  }
0x158: {  	[tilespmem:s21], [sflag:$0x4] =	stream.indirect_vreg.gather [hbm4b:s6+s3], $0x80, v3, vm0, $0xb8;
	[tilespmem:$0x19000] =	vst v63  }
0x159: {  	v3 =	vld [tilespmem:s19+$0x0];
	_ =	sdelay $0x4  }
0x15a: {  	v63 =	vshrl.u32 v3, $0x3  }
0x15b: {  	v4 =	vmul.u32 $0x30, v63  }
0x15c: {  	v3 =	vand.u32 $0x7, v3  }
0x15d: {  	v3 =	vor.u32 v3, v4  }
0x15e: {  	v4 =	vperm.xlane v3, v0;
	_ =	sdelay $0x1  }
0x15f: {  	v4 =	vadd.s32 v1, v4;
	_ =	sdelay $0x3  }
0x160: {  	s21 =	simm.s32 $0x16000;
	v3 =	vperm.xlane v3, v2  }
0x161: {  	[tilespmem:s21], [sflag:$0x4] =	stream.indirect_vreg.gather [hbm4b:s2+s3], $0x80, v4, vm0, $0xb8;
	[tilespmem:$0x19000] =	vst v63  }
0x162: {  	v3 =	vadd.s32 v1, v3;
	s21 =	simm.s32 $0x16800  }
0x163: {  	[tilespmem:s21], [sflag:$0x4] =	stream.indirect_vreg.gather [hbm4b:s5+s3], $0x80, v4, vm0, $0xb8;
	[tilespmem:$0x19000] =	vst v63  }
0x164: {  	s21 =	simm.s32 $0x17000  }
0x165: {  	[tilespmem:s21], [sflag:$0x4] =	stream.indirect_vreg.gather [hbm4b:s6+s3], $0x80, v4, vm0, $0xb8;
	[tilespmem:$0x19000] =	vst v63  }
0x166: {  	p0 =	sne.s32 s20, $0x12000  }
0x167: {  	[tilespmem:s4], [sflag:$0x4] =	stream.indirect_vreg.gather [hbm4b:s2+s3], $0x80, v3, vm0, $0xb8;
	[tilespmem:$0x19000] =	vst v63  }
.Ltmp0:
0x168: {  	s25 =	simm.s32 $0x1000;
	(pc) =	sbr.rel @p0 .LBB2_2-.Ltmp0, $4  }
0x169: {  	s20 =	sadd.s32 $0x3000, s20;
	s10 =	simm.s32 $0x7000;
	s0 =	simm.s32 $0xD000  }
0x16a: {  	[tilespmem:s23], [sflag:$0x4] =	stream.indirect_vreg.gather [hbm4b:s5+s3], $0x80, v3, vm0, $0xb8;
	[tilespmem:$0x19000] =	vst v63  }
0x16b: {  	s22 =	simm.s32 $0x1800;
	s30 =	simm.s32 $0x13000;
	s19 =	sadd.s32 $0x200, s19  }
0x16c: {  	[tilespmem:s29], [sflag:$0x4] =	stream.indirect_vreg.gather [hbm4b:s6+s3], $0x80, v3, vm0, $0xb8;
	[tilespmem:$0x19000] =	vst v63  }
0x16d: {  	_ =	swait.ge [sflag:s9], $0x6000  }
0x16e: {  	[sflag:s9] =	ssyncset.done $0x0  }
0x16f: {  	s19 =	rddreg [dreg:$0x6];
	[sflag:s9] =	ssyncadd.s32 $0xFFFFA000  }
0x170: {  	[hbm4b:s19+s3] =	stream.linear.scatter [tilespmem:s25], [sflag:$0x5], $0x6000, $0x38;
	[tilespmem:$0x19000] =	vst v63  }
0x171: {  	_ =	swait.ge [sflag:s12], $0x6000  }
0x172: {  	[sflag:s12] =	ssyncset.done $0x0  }
0x173: {  	s21 =	rddreg [dreg:$0x7];
	[sflag:s12] =	ssyncadd.s32 $0xFFFFA000  }
0x174: {  	[hbm4b:s21+s3] =	stream.linear.scatter [tilespmem:s10], [sflag:$0x6], $0x6000, $0x38;
	[tilespmem:$0x19000] =	vst v63  }
0x175: {  	_ =	swait.ge [sflag:s15], $0x6000  }
0x176: {  	[sflag:s15] =	ssyncset.done $0x0  }
0x177: {  	s23 =	rddreg [dreg:$0x8];
	[sflag:s15] =	ssyncadd.s32 $0xFFFFA000  }
0x178: {  	[hbm4b:s23+s3] =	stream.linear.scatter [tilespmem:s0], [sflag:$0x7], $0x6000, $0x38;
	[tilespmem:$0x19000] =	vst v63  }
0x179: {  	_ =	swait.ge [sflag:s17], $0x6000  }
0x17a: {  	[sflag:s17] =	ssyncset.done $0x0  }
0x17b: {  	s24 =	rddreg [dreg:$0x9];
	[sflag:s17] =	ssyncadd.s32 $0xFFFFA000  }
0x17c: {  	[hbm4b:s24+s3] =	stream.linear.scatter [tilespmem:s30], [sflag:$0x8], $0x6000, $0x38;
	[tilespmem:$0x19000] =	vst v63  }
0x17d: {  	_ =	swait.ge [sflag:s11], $0x6000  }
0x17e: {  	[sflag:s11] =	ssyncset.done $0x0  }
0x17f: {  	[sflag:s11] =	ssyncadd.s32 $0xFFFFA000  }
0x180: {  	_ =	swait.ge [sflag:s14], $0x6000  }
0x181: {  	[sflag:s14] =	ssyncset.done $0x0  }
0x182: {  	[sflag:s14] =	ssyncadd.s32 $0xFFFFA000  }
0x183: {  	_ =	swait.ge [sflag:s16], $0x6000  }
0x184: {  	[sflag:s16] =	ssyncset.done $0x0  }
0x185: {  	[sflag:s16] =	ssyncadd.s32 $0xFFFFA000  }
0x186: {  	_ =	swait.ge [sflag:s18], $0x6000  }
0x187: {  	s1 =	rddreg [dreg:$0xb]  }
0x188: {  	s26 =	rddreg [dreg:$0xa];
	s1 =	sadd.s32 $0x1, s1  }
0x189: {  	s20 =	simm.s32 $0x2000;
	s28 =	simm.s32 $0x4000;
	p0 =	sne.s32 s1, s26  }
.Ltmp1:
0x18a: {  	s29 =	simm.s32 $0x4800;
	s8 =	simm.s32 $0x5000;
	(pc) =	sbr.rel @p0 .LBB2_1-.Ltmp1, $4  }
0x18b: {  	s4 =	simm.s32 $0x6000;
	s7 =	simm.s32 $0x6800;
	s13 =	simm.s32 $0x8000  }
0x18c: {  	s31 =	simm.s32 $0x9000;
	s21 =	simm.s32 $0x2800;
	[sflag:s18] =	ssyncset.done $0x0  }
0x18d: {  	s23 =	simm.s32 $0x8800;
	s24 =	simm.s32 $0x3000;
	[sflag:s18] =	ssyncadd.s32 $0xFFFFA000  }
0x18e: {  	[dreg:$0xb] =	wrdreg s1;
	s26 =	simm.s32 $0x3800;
	s1 =	simm.s32 $0x5800  }
0x18f: {  	_ =	sfence.sel $0x180000  }
0x190: {  	[bflag:$0x0] =	sbarrier.arrive $0xFFFF  }
0x191: {  	_ =	strace $0x90000047  }
0x192: {  	s0 =	stileid.u32;
	[bflag:$0x2] =	sbarrier.arrive $0xFFFF  }
0x193: {  	p0 =	sne.s32 s0, $0x0;
	s0 =	rddreg [dreg:$0x3]  }
0x194: {  	s0 =	sadd.s32 @!p0 $0x100000, s0  }
0x195: {  	[sflag:s0] =	ssyncadd.tile.s32 @!p0 $0x1;
	_ =	shalt  }
.Lfunc_end2:
_tile_overlayer_lowered:
.L_overlay_start_2:
0x196: {  	(tag) =	ssettag $0x2  }
0x197: {  	s0 =	rddreg [dreg:$0x0];
	s2 =	stileid.u32  }
0x198: {  	s1 =	rddreg [dreg:$0x1];
	p0 =	sne.s32 s2, $0x0  }
0x199: {  	s3 =	rddreg [dreg:$0x2];
	[bflag:$0x3] =	sbarrier.arrive $0xFFFF;
	s2 =	simm.s32 @!p0 $0x1C09  }
0x19a: {  	[timem:s3], [sflag:s2] =	dma.local @!p0 [hbm:s0], s1  }
0x19b: {  	s0 =	simm.s32 @!p0 $0x9  }
0x19c: {  	_ =	swait.ge @!p0 [sflag:s0], s1  }
0x19d: {  	s1 =	ssub.s32 @!p0 $0x0, s1;
	[sflag:s0] =	ssyncset.done @!p0 $0x0  }
0x19e: {  	[sflag:s0] =	ssyncadd.s32 @!p0 s1  }
0x19f: {  	[bflag:$0x3] =	sbarrier.arrive $0xFFFF  }
0x1a0: {  	_ =	shalt  }

</sc_bundles>
